<compile_context>
chip_gen: v7x
topology: tpu7x:2x2x1
jax: 0.10.2.dev20260603
libtpu: 0.0.44.dev20260713+nightly
codegen_flags: <defaults>
</compile_context>

<pallas_src>
import functools

import jax
import jax.numpy as jnp
from jax import lax
from jax.experimental import pallas as pl
from jax.experimental.pallas import tpu as pltpu
from jax.experimental.pallas import tpu_sc as plsc

_N = 100000
_DX = 64
_DY = 16
_DK = _DX + _DY
_Q = 256
_BN = 4096
_LOGBN = _BN.bit_length() - 1
_NBLK = (_N + _BN - 1) // _BN
_BIG = 2**30


def _norms_reduce(ks2):
    t = ks2[0:8]
    for j in range(1, _DK // 8):
        t = t + ks2[8 * j:8 * (j + 1)]
    t = t[0:4] + t[4:8]
    t = t[0:2] + t[2:4]
    return t[0:1] + t[1:2]


def _dist_body(xyT_ref, qn_ref, xsT_ref, ysT_ref, idx_ref, mask_ref,
               val2_ref, bd_ref, bi_ref):
    i = pl.program_id(0)
    xsT = xsT_ref[...]
    t = jnp.transpose(xsT)
    val2_ref[...] = jnp.concatenate(
        [t[0:_BN // 2], t[_BN // 2:_BN]], axis=1)
    ksT = jnp.concatenate([xsT, ysT_ref[...]], axis=0)
    lane = lax.broadcasted_iota(jnp.int32, (1, _BN), 1)
    valid = (lane + i * _BN) < _N
    ksT = jnp.where(valid, ksT, 0.0)
    kq = lax.dot_general(xyT_ref[...].astype(jnp.bfloat16),
                         ksT.astype(jnp.bfloat16),
                         (((0,), (0,)), ((), ())),
                         preferred_element_type=jnp.float32)
    nrm = jnp.where(valid, _norms_reduce(ksT * ksT), jnp.inf)
    m = jnp.min((nrm + qn_ref[...]) - 2.0 * kq, axis=1,
                keepdims=True)

    @pl.when(i == 0)
    def _():
        bd_ref[...] = jnp.full((_Q, 1), jnp.inf, jnp.float32)
        bi_ref[...] = jnp.zeros((_Q, 1), jnp.int32)

    better = m < bd_ref[...]

    @pl.when(jnp.any(better))
    def _():
        dref = (nrm + qn_ref[...]) - 2.0 * kq
        col = lax.broadcasted_iota(jnp.int32, (_Q, _BN), 1)
        bidx = jnp.min(jnp.where(dref == m, col, _BIG), axis=1,
                       keepdims=True) + i * _BN
        bd_ref[...] = jnp.where(better, m, bd_ref[...])
        bi_ref[...] = jnp.where(better, bidx, bi_ref[...])

    @pl.when(i == _NBLK - 1)
    def _():
        idx_ref[...] = bi_ref[...]
        mask_ref[...] = (bd_ref[...] <= 0.01).astype(jnp.float32)


def _distance_argmin(xyT, qn_col, xsT, ysT):
    return pl.pallas_call(
        _dist_body,
        grid=(_NBLK,),
        in_specs=[
            pl.BlockSpec((_DK, _Q), lambda i: (0, 0)),
            pl.BlockSpec((_Q, 1), lambda i: (0, 0)),
            pl.BlockSpec((_DX, _BN), lambda i: (0, i)),
            pl.BlockSpec((_DY, _BN), lambda i: (0, i)),
        ],
        out_specs=[
            pl.BlockSpec((_Q, 1), lambda i: (0, 0)),
            pl.BlockSpec((_Q, 1), lambda i: (0, 0)),
            pl.BlockSpec((_BN // 2, 2 * _DX), lambda i: (i, 0)),
        ],
        out_shape=[
            jax.ShapeDtypeStruct((_Q, 1), jnp.int32),
            jax.ShapeDtypeStruct((_Q, 1), jnp.float32),
            jax.ShapeDtypeStruct((_NBLK * _BN // 2, 2 * _DX), jnp.float32),
        ],
        scratch_shapes=[
            pltpu.VMEM((_Q, 1), jnp.float32),
            pltpu.VMEM((_Q, 1), jnp.int32),
        ],
    )(xyT, qn_col, xsT, ysT)


def _make_sc_gather():
    info = plsc.get_sparse_core_info()
    nc, ns = info.num_cores, info.num_subcores
    nw = nc * ns
    bpw = _Q // nw
    lanes = 16
    mesh = plsc.VectorSubcoreMesh(core_axis_name="c", subcore_axis_name="s")

    @functools.partial(
        pl.kernel,
        mesh=mesh,
        out_type=jax.ShapeDtypeStruct((_Q, _DX), jnp.float32),
        scratch_types=[
            pltpu.VMEM((lanes,), jnp.int32),
            pltpu.VMEM((lanes,), jnp.int32),
            pltpu.VMEM((lanes, 2 * _DX), jnp.float32),
            pltpu.VMEM((bpw, _DX), jnp.float32),
            pltpu.VMEM((bpw, _DX), jnp.float32),
            pltpu.SemaphoreType.DMA,
        ],
    )
    def gather_k(idx_hbm, maskf_hbm, pi_hbm, val2_hbm, out_hbm,
                 idx_v, piv_v, rows_v, mask_v, out_v, sem):
        wid = lax.axis_index("s") * nc + lax.axis_index("c")
        base = wid * bpw
        pltpu.sync_copy(idx_hbm.at[pl.ds(base, bpw)], idx_v.at[pl.ds(0, bpw)])
        pltpu.sync_copy(maskf_hbm.at[pl.ds(base, bpw)], mask_v)
        idx_v[...] = jnp.clip(idx_v[...], 0, _N - 1)
        pltpu.async_copy(pi_hbm.at[idx_v], piv_v, sem).wait()
        pv = piv_v[...]
        half = (pv >> (_LOGBN - 1)) & 1
        piv_v[...] = ((pv >> _LOGBN) << (_LOGBN - 1)) | (pv & (_BN // 2 - 1))
        pltpu.async_copy(val2_hbm.at[piv_v], rows_v, sem).wait()
        for q in range(bpw):
            hb = lax.gather(
                half, jnp.full((lanes, 1), q, jnp.int32),
                lax.GatherDimensionNumbers(
                    offset_dims=(), collapsed_slice_dims=(0,),
                    start_index_map=(0,)),
                slice_sizes=(1,),
                mode=lax.GatherScatterMode.PROMISE_IN_BOUNDS)
            hf = hb.astype(jnp.float32)
            for c in range(_DX // lanes):
                lo = rows_v[q, pl.ds(c * lanes, lanes)]
                hi = rows_v[q, pl.ds(_DX + c * lanes, lanes)]
                sel = lo + (hi - lo) * hf
                out_v[q, pl.ds(c * lanes, lanes)] = (
                    sel * mask_v[q, pl.ds(c * lanes, lanes)])
        pltpu.sync_copy(out_v, out_hbm.at[pl.ds(base, bpw)])

    return gather_k


def kernel(X, Y, X_store, Y_store, pi):
    xyT = jnp.concatenate([X.T, Y.T], axis=0)
    qn_col = jnp.sum(xyT ** 2, axis=0)[:, None]
    idx_col, mask_col, values2 = _distance_argmin(
        xyT, qn_col, X_store.T, Y_store.T)
    idx = idx_col.reshape(_Q)
    maskf = jnp.broadcast_to(mask_col, (_Q, _DX))
    gather_fn = _make_sc_gather()
    return gather_fn(idx, maskf, pi.astype(jnp.int32), values2)

# --- scband reference (transcript-rebuilt; emitter-appended) ---
"""Pipeline reference for scband-magic-memory-12850542150219 (READ-ONLY COPY).

The authoritative reference and input builder live on the scoring server;
editing this copy changes nothing except your own understanding.
"""

import jax, jax.numpy as jnp
import numpy as np

N = 100000   # number of stored patterns (keys)
D_X = 64     # value / X feature dim
D_Y = 16     # Y feature dim
Q = 256      # query batch


def setup_inputs(seed: int = 0) -> dict:
    key = jax.random.key(seed)
    k1, k2, k3, k4, k5 = jax.random.split(key, 5)
    # Learned / stored state (from __init__): keys = cat([X_store, Y_store]), values = X_store, pi = permutation
    X_store = jax.random.normal(k1, (N, D_X), dtype=jnp.float32)
    Y_store = jax.random.normal(k2, (N, D_Y), dtype=jnp.float32)
    pi = jax.random.permutation(k3, N)  # int32 permutation of [N]
    # Queries: stored patterns perturbed slightly so the in-ball threshold (d <= 0.01) is actually hit
    X = X_store[:Q] + 0.001 * jax.random.normal(k4, (Q, D_X), dtype=jnp.float32)
    Y = Y_store[:Q] + 0.001 * jax.random.normal(k5, (Q, D_Y), dtype=jnp.float32)
    return {"X": X, "Y": Y, "X_store": X_store, "Y_store": Y_store, "pi": pi}


def reference(X, Y, X_store, Y_store, pi):
    keys = jnp.concatenate([X_store, Y_store], axis=-1)   # [N, D_X+D_Y]
    values = X_store                                       # [N, D_X]
    XY = jnp.concatenate([X, Y], axis=-1)                  # [Q, D_X+D_Y]
    norms = jnp.sum(keys ** 2, axis=-1)                    # [N]
    kq = jnp.einsum('ij,...j->...i', keys, XY)             # [Q, N]
    # squared L2 distance between every query and every stored key
    d = norms[None, :] + jnp.sum(XY ** 2, axis=-1, keepdims=True) - 2.0 * kq  # [Q, N]
    in_ball = jnp.any(d <= 0.01, axis=1, keepdims=True)    # [Q, 1] bool
    idx = jnp.argmin(d, axis=-1)                           # [Q]
    out = in_ball * values[pi[idx]]                        # [Q, D_X]
    return out

if __name__ == "__main__":
    import jax
    _d = setup_inputs()
    print(jax.jit(kernel)(*tuple(_d.values())))

</pallas_src>

<mosaic_0001>
#map = affine_map<(d0, d1) -> (0)>
#map1 = affine_map<(d0, d1) -> (0, 0)>
module attributes {stable_mosaic.version = 14 : i64} {
  func.func @gather_k(%arg0: i32, %arg1: i32, %arg2: memref<256xi32, #tpu.memory_space<hbm>>, %arg3: memref<256x64xf32, #tpu.memory_space<hbm>>, %arg4: memref<100000xi32, #tpu.memory_space<hbm>>, %arg5: memref<51200x128xf32, #tpu.memory_space<hbm>>, %arg6: memref<256x64xf32, #tpu.memory_space<hbm>>, %arg7: memref<16xi32, #tpu.memory_space<vmem>>, %arg8: memref<16xi32, #tpu.memory_space<vmem>>, %arg9: memref<16x128xf32, #tpu.memory_space<vmem>>, %arg10: memref<8x64xf32, #tpu.memory_space<vmem>>, %arg11: memref<8x64xf32, #tpu.memory_space<vmem>>, %arg12: memref<!tpu.dma_semaphore, #tpu.memory_space<semaphore_mem>>) attributes {dimension_semantics = [#tpu.dimension_semantics<core_parallel>, #tpu.dimension_semantics<subcore_parallel>], iteration_bounds = array<i64: 2, 16>, scalar_prefetch = 0 : i64, scratch_operands = 6 : i64, tpu.core_type = #tpu.core_type<sc_vector_subcore>, window_params = [{transform_indices = #map}, {transform_indices = #map1}, {transform_indices = #map}, {transform_indices = #map1}, {transform_indices = #map1}]} {
    %mul3A = arith.constant 2 : i32
    %mul3A_0 = arith.muli %arg1, %mul3A : i32
    %add3A = arith.addi %mul3A_0, %arg0 : i32
    %mul3A_1 = arith.constant 8 : i32
    %mul3A_2 = arith.muli %add3A, %mul3A_1 : i32
    "tpu.region"() ({
      %run_scoped3A = tpu.sem_alloc : memref<!tpu.dma_semaphore, #tpu.memory_space<semaphore_mem>>
      %dma_start3A_874 = arith.constant 0 : i32
      %dma_start3A_875 = tpu.memref_slice %arg7[%dma_start3A_874] : memref<16xi32, #tpu.memory_space<vmem>> -> memref<8xi32, #tpu.memory_space<vmem>>
      %dma_start3A_876 = tpu.memref_slice %arg2[%mul3A_2] : memref<256xi32, #tpu.memory_space<hbm>> -> memref<8xi32, #tpu.memory_space<hbm>>
      %dma_start3A_877 = arith.constant 0 : i32
      %dma_start3A_878 = tpu.memref_slice %arg7[%dma_start3A_877] : memref<16xi32, #tpu.memory_space<vmem>> -> memref<8xi32, #tpu.memory_space<vmem>>
      %dma_start3A_879 = tpu.memref_slice %arg2[%mul3A_2] : memref<256xi32, #tpu.memory_space<hbm>> -> memref<8xi32, #tpu.memory_space<hbm>>
      tpu.enqueue_dma source(%dma_start3A_879 : memref<8xi32, #tpu.memory_space<hbm>>) target(%dma_start3A_878 : memref<8xi32, #tpu.memory_space<vmem>>) target_semaphore(%run_scoped3A : memref<!tpu.dma_semaphore, #tpu.memory_space<semaphore_mem>>)
      %dma_wait3A_880 = arith.constant 0 : i32
      %dma_wait3A_881 = tpu.memref_slice %arg7[%dma_wait3A_880] : memref<16xi32, #tpu.memory_space<vmem>> -> memref<8xi32, #tpu.memory_space<vmem>>
      %dma_wait3A_882 = tpu.memref_slice %arg2[%mul3A_2] : memref<256xi32, #tpu.memory_space<hbm>> -> memref<8xi32, #tpu.memory_space<hbm>>
      %dma_wait3A_883 = arith.constant 0 : i32
      %dma_wait3A_884 = tpu.memref_slice %arg7[%dma_wait3A_883] : memref<16xi32, #tpu.memory_space<vmem>> -> memref<8xi32, #tpu.memory_space<vmem>>
      %dma_wait3A_885 = tpu.memref_slice %arg2[%mul3A_2] : memref<256xi32, #tpu.memory_space<hbm>> -> memref<8xi32, #tpu.memory_space<hbm>>
      tpu.wait_dma2 semaphore(%run_scoped3A : memref<!tpu.dma_semaphore, #tpu.memory_space<semaphore_mem>>) src(%dma_wait3A_885 : memref<8xi32, #tpu.memory_space<hbm>>) dst(%dma_wait3A_884 : memref<8xi32, #tpu.memory_space<vmem>>)
      tpu.yield
    }) : () -> ()
    "tpu.region"() ({
      %run_scoped3A = tpu.sem_alloc : memref<!tpu.dma_semaphore, #tpu.memory_space<semaphore_mem>>
      %dma_start3A_874 = arith.constant 0 : i32
      %dma_start3A_875 = tpu.memref_slice %arg3[%mul3A_2, %dma_start3A_874] : memref<256x64xf32, #tpu.memory_space<hbm>> -> memref<8x64xf32, #tpu.memory_space<hbm>>
      %dma_start3A_876 = arith.constant 0 : i32
      %dma_start3A_877 = tpu.memref_slice %arg3[%mul3A_2, %dma_start3A_876] : memref<256x64xf32, #tpu.memory_space<hbm>> -> memref<8x64xf32, #tpu.memory_space<hbm>>
      tpu.enqueue_dma source(%dma_start3A_877 : memref<8x64xf32, #tpu.memory_space<hbm>>) target(%arg10 : memref<8x64xf32, #tpu.memory_space<vmem>>) target_semaphore(%run_scoped3A : memref<!tpu.dma_semaphore, #tpu.memory_space<semaphore_mem>>)
      %dma_wait3A_878 = arith.constant 0 : i32
      %dma_wait3A_879 = tpu.memref_slice %arg3[%mul3A_2, %dma_wait3A_878] : memref<256x64xf32, #tpu.memory_space<hbm>> -> memref<8x64xf32, #tpu.memory_space<hbm>>
      %dma_wait3A_880 = arith.constant 0 : i32
      %dma_wait3A_881 = tpu.memref_slice %arg3[%mul3A_2, %dma_wait3A_880] : memref<256x64xf32, #tpu.memory_space<hbm>> -> memref<8x64xf32, #tpu.memory_space<hbm>>
      tpu.wait_dma2 semaphore(%run_scoped3A : memref<!tpu.dma_semaphore, #tpu.memory_space<semaphore_mem>>) src(%dma_wait3A_881 : memref<8x64xf32, #tpu.memory_space<hbm>>) dst(%arg10 : memref<8x64xf32, #tpu.memory_space<vmem>>)
      tpu.yield
    }) : () -> ()
    %get3A = arith.constant 0 : index
    %get3A_3 = tpu.vector_load %arg7[%get3A] {strides = array<i32>} : memref<16xi32, #tpu.memory_space<vmem>>, vector<16xi32>,
    %get3A_4 = vector.shape_cast %get3A_3 : vector<16xi32> to vector<16xi32>
    %jit3A = arith.constant 0 : i32
    %jit3A_5 = arith.constant 99999 : i32
    %max3A = vector.broadcast %jit3A : i32 to vector<16xi32>
    %max3A_6 = arith.maxsi %max3A, %get3A_4 : vector<16xi32>
    %min3A = vector.broadcast %jit3A_5 : i32 to vector<16xi32>
    %min3A_7 = arith.minsi %min3A, %max3A_6 : vector<16xi32>
    %swap3A = arith.constant 0 : index
    %swap3A_8 = tpu.vector_load %arg7[%swap3A] {strides = array<i32>} : memref<16xi32, #tpu.memory_space<vmem>>, vector<16xi32>,
    %swap3A_9 = vector.shape_cast %swap3A_8 : vector<16xi32> to vector<16xi32>
    %swap3A_10 = vector.shape_cast %min3A_7 : vector<16xi32> to vector<16xi32>
    tpu.vector_store %arg7[%swap3A], %swap3A_10 {strides = array<i32>} : memref<16xi32, #tpu.memory_space<vmem>>, vector<16xi32>,
    %dma_start3A = arith.constant 0 : i32
    %dma_start3A_11 = tpu.memref_slice %arg4[%dma_start3A] : memref<100000xi32, #tpu.memory_space<hbm>> -> memref<100000xi32, #tpu.memory_space<hbm>>
    tpu.enqueue_indirect_dma source(%dma_start3A_11 : memref<100000xi32, #tpu.memory_space<hbm>>) target(%arg8 : memref<16xi32, #tpu.memory_space<vmem>>) offsets(%arg7 : memref<16xi32, #tpu.memory_space<vmem>>) semaphore(%arg12 : memref<!tpu.dma_semaphore, #tpu.memory_space<semaphore_mem>>)
    %dma_wait3A = arith.constant 0 : i32
    %dma_wait3A_12 = tpu.memref_slice %arg4[%dma_wait3A] : memref<100000xi32, #tpu.memory_space<hbm>> -> memref<100000xi32, #tpu.memory_space<hbm>>
    tpu.wait_indirect_dma semaphore(%arg12 : memref<!tpu.dma_semaphore, #tpu.memory_space<semaphore_mem>>) src(%dma_wait3A_12 : memref<100000xi32, #tpu.memory_space<hbm>>) dst(%arg8 : memref<16xi32, #tpu.memory_space<vmem>>)
    %get3A_13 = arith.constant 0 : index
    %get3A_14 = tpu.vector_load %arg8[%get3A_13] {strides = array<i32>} : memref<16xi32, #tpu.memory_space<vmem>>, vector<16xi32>,
    %get3A_15 = vector.shape_cast %get3A_14 : vector<16xi32> to vector<16xi32>
    %shift_right_arithmetic3A = arith.constant 11 : i32
    %shift_right_arithmetic3A_16 = vector.broadcast %shift_right_arithmetic3A : i32 to vector<16xi32>
    %shift_right_arithmetic3A_17 = arith.shrsi %get3A_15, %shift_right_arithmetic3A_16 : vector<16xi32>
    %and3A = arith.constant 1 : i32
    %and3A_18 = vector.broadcast %and3A : i32 to vector<16xi32>
    %and3A_19 = arith.andi %shift_right_arithmetic3A_17, %and3A_18 : vector<16xi32>
    %shift_right_arithmetic3A_20 = arith.constant 12 : i32
    %shift_right_arithmetic3A_21 = vector.broadcast %shift_right_arithmetic3A_20 : i32 to vector<16xi32>
    %shift_right_arithmetic3A_22 = arith.shrsi %get3A_15, %shift_right_arithmetic3A_21 : vector<16xi32>
    %shift_left3A = arith.constant 11 : i32
    %shift_left3A_23 = vector.broadcast %shift_left3A : i32 to vector<16xi32>
    %shift_left3A_24 = arith.shli %shift_right_arithmetic3A_22, %shift_left3A_23 : vector<16xi32>
    %and3A_25 = arith.constant 2047 : i32
    %and3A_26 = vector.broadcast %and3A_25 : i32 to vector<16xi32>
    %and3A_27 = arith.andi %get3A_15, %and3A_26 : vector<16xi32>
    %or3A = arith.ori %shift_left3A_24, %and3A_27 : vector<16xi32>
    %swap3A_28 = arith.constant 0 : index
    %swap3A_29 = tpu.vector_load %arg8[%swap3A_28] {strides = array<i32>} : memref<16xi32, #tpu.memory_space<vmem>>, vector<16xi32>,
    %swap3A_30 = vector.shape_cast %swap3A_29 : vector<16xi32> to vector<16xi32>
    %swap3A_31 = vector.shape_cast %or3A : vector<16xi32> to vector<16xi32>
    tpu.vector_store %arg8[%swap3A_28], %swap3A_31 {strides = array<i32>} : memref<16xi32, #tpu.memory_space<vmem>>, vector<16xi32>,
    %dma_start3A_32 = arith.constant 0 : i32
    %dma_start3A_33 = arith.constant 0 : i32
    %dma_start3A_34 = tpu.memref_slice %arg5[%dma_start3A_32, %dma_start3A_33] : memref<51200x128xf32, #tpu.memory_space<hbm>> -> memref<51200x128xf32, #tpu.memory_space<hbm>>
    tpu.enqueue_indirect_dma source(%dma_start3A_34 : memref<51200x128xf32, #tpu.memory_space<hbm>>) target(%arg9 : memref<16x128xf32, #tpu.memory_space<vmem>>) offsets(%arg8 : memref<16xi32, #tpu.memory_space<vmem>>) semaphore(%arg12 : memref<!tpu.dma_semaphore, #tpu.memory_space<semaphore_mem>>)
    %dma_wait3A_35 = arith.constant 0 : i32
    %dma_wait3A_36 = arith.constant 0 : i32
    %dma_wait3A_37 = tpu.memref_slice %arg5[%dma_wait3A_35, %dma_wait3A_36] : memref<51200x128xf32, #tpu.memory_space<hbm>> -> memref<51200x128xf32, #tpu.memory_space<hbm>>
    tpu.wait_indirect_dma semaphore(%arg12 : memref<!tpu.dma_semaphore, #tpu.memory_space<semaphore_mem>>) src(%dma_wait3A_37 : memref<51200x128xf32, #tpu.memory_space<hbm>>) dst(%arg9 : memref<16x128xf32, #tpu.memory_space<vmem>>)
    %broadcast_in_dim3A = arith.constant 0 : i32
    %broadcast_in_dim3A_38 = vector.broadcast %broadcast_in_dim3A : i32 to vector<16x1xi32>
    %gather3A = vector.shape_cast %broadcast_in_dim3A_38 : vector<16x1xi32> to vector<16xi32>
    %gather3A_39 = tpu.dynamic_gather %and3A_19[%gather3A] in [0] : vector<16xi32>, vector<16xi32> -> vector<16xi32>
    %convert_element_type3A = arith.sitofp %gather3A_39 : vector<16xi32> to vector<16xf32>
    %get3A_40 = arith.constant 0 : i32
    %get3A_41 = arith.index_cast %get3A_40 : i32 to index
    %get3A_42 = arith.constant 0 : index
    %get3A_43 = tpu.vector_load %arg9[%get3A_41, %get3A_42] {strides = array<i32>} : memref<16x128xf32, #tpu.memory_space<vmem>>, vector<1x16xf32>,
    %get3A_44 = vector.shape_cast %get3A_43 : vector<1x16xf32> to vector<16xf32>
    %get3A_45 = arith.constant 0 : i32
    %get3A_46 = arith.index_cast %get3A_45 : i32 to index
    %get3A_47 = arith.constant 64 : index
    %get3A_48 = tpu.vector_load %arg9[%get3A_46, %get3A_47] {strides = array<i32>} : memref<16x128xf32, #tpu.memory_space<vmem>>, vector<1x16xf32>,
    %get3A_49 = vector.shape_cast %get3A_48 : vector<1x16xf32> to vector<16xf32>
    %sub3A = arith.subf %get3A_49, %get3A_44 : vector<16xf32>
    %mul3A_50 = arith.mulf %sub3A, %convert_element_type3A : vector<16xf32>
    %add3A_51 = arith.addf %get3A_44, %mul3A_50 : vector<16xf32>
    %get3A_52 = arith.constant 0 : i32
    %get3A_53 = arith.index_cast %get3A_52 : i32 to index
    %get3A_54 = arith.constant 0 : index
    %get3A_55 = tpu.vector_load %arg10[%get3A_53, %get3A_54] {strides = array<i32>} : memref<8x64xf32, #tpu.memory_space<vmem>>, vector<1x16xf32>,
    %get3A_56 = vector.shape_cast %get3A_55 : vector<1x16xf32> to vector<16xf32>
    %mul3A_57 = arith.mulf %add3A_51, %get3A_56 : vector<16xf32>
    %swap3A_58 = arith.constant 0 : i32
    %swap3A_59 = arith.index_cast %swap3A_58 : i32 to index
    %swap3A_60 = arith.constant 0 : index
    %swap3A_61 = tpu.vector_load %arg11[%swap3A_59, %swap3A_60] {strides = array<i32>} : memref<8x64xf32, #tpu.memory_space<vmem>>, vector<1x16xf32>,
    %swap3A_62 = vector.shape_cast %swap3A_61 : vector<1x16xf32> to vector<16xf32>
    %swap3A_63 = vector.shape_cast %mul3A_57 : vector<16xf32> to vector<1x16xf32>
    tpu.vector_store %arg11[%swap3A_59, %swap3A_60], %swap3A_63 {strides = array<i32>} : memref<8x64xf32, #tpu.memory_space<vmem>>, vector<1x16xf32>,
    %get3A_64 = arith.constant 0 : i32
    %get3A_65 = arith.index_cast %get3A_64 : i32 to index
    %get3A_66 = arith.constant 16 : index
    %get3A_67 = tpu.vector_load %arg9[%get3A_65, %get3A_66] {strides = array<i32>} : memref<16x128xf32, #tpu.memory_space<vmem>>, vector<1x16xf32>,
    %get3A_68 = vector.shape_cast %get3A_67 : vector<1x16xf32> to vector<16xf32>
    %get3A_69 = arith.constant 0 : i32
    %get3A_70 = arith.index_cast %get3A_69 : i32 to index
    %get3A_71 = arith.constant 80 : index
    %get3A_72 = tpu.vector_load %arg9[%get3A_70, %get3A_71] {strides = array<i32>} : memref<16x128xf32, #tpu.memory_space<vmem>>, vector<1x16xf32>,
    %get3A_73 = vector.shape_cast %get3A_72 : vector<1x16xf32> to vector<16xf32>
    %sub3A_74 = arith.subf %get3A_73, %get3A_68 : vector<16xf32>
    %mul3A_75 = arith.mulf %sub3A_74, %convert_element_type3A : vector<16xf32>
    %add3A_76 = arith.addf %get3A_68, %mul3A_75 : vector<16xf32>
    %get3A_77 = arith.constant 0 : i32
    %get3A_78 = arith.index_cast %get3A_77 : i32 to index
    %get3A_79 = arith.constant 16 : index
    %get3A_80 = tpu.vector_load %arg10[%get3A_78, %get3A_79] {strides = array<i32>} : memref<8x64xf32, #tpu.memory_space<vmem>>, vector<1x16xf32>,
    %get3A_81 = vector.shape_cast %get3A_80 : vector<1x16xf32> to vector<16xf32>
    %mul3A_82 = arith.mulf %add3A_76, %get3A_81 : vector<16xf32>
    %swap3A_83 = arith.constant 0 : i32
    %swap3A_84 = arith.index_cast %swap3A_83 : i32 to index
    %swap3A_85 = arith.constant 16 : index
    %swap3A_86 = tpu.vector_load %arg11[%swap3A_84, %swap3A_85] {strides = array<i32>} : memref<8x64xf32, #tpu.memory_space<vmem>>, vector<1x16xf32>,
    %swap3A_87 = vector.shape_cast %swap3A_86 : vector<1x16xf32> to vector<16xf32>
    %swap3A_88 = vector.shape_cast %mul3A_82 : vector<16xf32> to vector<1x16xf32>
    tpu.vector_store %arg11[%swap3A_84, %swap3A_85], %swap3A_88 {strides = array<i32>} : memref<8x64xf32, #tpu.memory_space<vmem>>, vector<1x16xf32>,
    %get3A_89 = arith.constant 0 : i32
    %get3A_90 = arith.index_cast %get3A_89 : i32 to index
    %get3A_91 = arith.constant 32 : index
    %get3A_92 = tpu.vector_load %arg9[%get3A_90, %get3A_91] {strides = array<i32>} : memref<16x128xf32, #tpu.memory_space<vmem>>, vector<1x16xf32>,
    %get3A_93 = vector.shape_cast %get3A_92 : vector<1x16xf32> to vector<16xf32>
    %get3A_94 = arith.constant 0 : i32
    %get3A_95 = arith.index_cast %get3A_94 : i32 to index
    %get3A_96 = arith.constant 96 : index
    %get3A_97 = tpu.vector_load %arg9[%get3A_95, %get3A_96] {strides = array<i32>} : memref<16x128xf32, #tpu.memory_space<vmem>>, vector<1x16xf32>,
    %get3A_98 = vector.shape_cast %get3A_97 : vector<1x16xf32> to vector<16xf32>
    %sub3A_99 = arith.subf %get3A_98, %get3A_93 : vector<16xf32>
    %mul3A_100 = arith.mulf %sub3A_99, %convert_element_type3A : vector<16xf32>
    %add3A_101 = arith.addf %get3A_93, %mul3A_100 : vector<16xf32>
    %get3A_102 = arith.constant 0 : i32
    %get3A_103 = arith.index_cast %get3A_102 : i32 to index
    %get3A_104 = arith.constant 32 : index
    %get3A_105 = tpu.vector_load %arg10[%get3A_103, %get3A_104] {strides = array<i32>} : memref<8x64xf32, #tpu.memory_space<vmem>>, vector<1x16xf32>,
    %get3A_106 = vector.shape_cast %get3A_105 : vector<1x16xf32> to vector<16xf32>
    %mul3A_107 = arith.mulf %add3A_101, %get3A_106 : vector<16xf32>
    %swap3A_108 = arith.constant 0 : i32
    %swap3A_109 = arith.index_cast %swap3A_108 : i32 to index
    %swap3A_110 = arith.constant 32 : index
    %swap3A_111 = tpu.vector_load %arg11[%swap3A_109, %swap3A_110] {strides = array<i32>} : memref<8x64xf32, #tpu.memory_space<vmem>>, vector<1x16xf32>,
    %swap3A_112 = vector.shape_cast %swap3A_111 : vector<1x16xf32> to vector<16xf32>
    %swap3A_113 = vector.shape_cast %mul3A_107 : vector<16xf32> to vector<1x16xf32>
    tpu.vector_store %arg11[%swap3A_109, %swap3A_110], %swap3A_113 {strides = array<i32>} : memref<8x64xf32, #tpu.memory_space<vmem>>, vector<1x16xf32>,
    %get3A_114 = arith.constant 0 : i32
    %get3A_115 = arith.index_cast %get3A_114 : i32 to index
    %get3A_116 = arith.constant 48 : index
    %get3A_117 = tpu.vector_load %arg9[%get3A_115, %get3A_116] {strides = array<i32>} : memref<16x128xf32, #tpu.memory_space<vmem>>, vector<1x16xf32>,
    %get3A_118 = vector.shape_cast %get3A_117 : vector<1x16xf32> to vector<16xf32>
    %get3A_119 = arith.constant 0 : i32
    %get3A_120 = arith.index_cast %get3A_119 : i32 to index
    %get3A_121 = arith.constant 112 : index
    %get3A_122 = tpu.vector_load %arg9[%get3A_120, %get3A_121] {strides = array<i32>} : memref<16x128xf32, #tpu.memory_space<vmem>>, vector<1x16xf32>,
    %get3A_123 = vector.shape_cast %get3A_122 : vector<1x16xf32> to vector<16xf32>
    %sub3A_124 = arith.subf %get3A_123, %get3A_118 : vector<16xf32>
    %mul3A_125 = arith.mulf %sub3A_124, %convert_element_type3A : vector<16xf32>
    %add3A_126 = arith.addf %get3A_118, %mul3A_125 : vector<16xf32>
    %get3A_127 = arith.constant 0 : i32
    %get3A_128 = arith.index_cast %get3A_127 : i32 to index
    %get3A_129 = arith.constant 48 : index
    %get3A_130 = tpu.vector_load %arg10[%get3A_128, %get3A_129] {strides = array<i32>} : memref<8x64xf32, #tpu.memory_space<vmem>>, vector<1x16xf32>,
    %get3A_131 = vector.shape_cast %get3A_130 : vector<1x16xf32> to vector<16xf32>
    %mul3A_132 = arith.mulf %add3A_126, %get3A_131 : vector<16xf32>
    %swap3A_133 = arith.constant 0 : i32
    %swap3A_134 = arith.index_cast %swap3A_133 : i32 to index
    %swap3A_135 = arith.constant 48 : index
    %swap3A_136 = tpu.vector_load %arg11[%swap3A_134, %swap3A_135] {strides = array<i32>} : memref<8x64xf32, #tpu.memory_space<vmem>>, vector<1x16xf32>,
    %swap3A_137 = vector.shape_cast %swap3A_136 : vector<1x16xf32> to vector<16xf32>
    %swap3A_138 = vector.shape_cast %mul3A_132 : vector<16xf32> to vector<1x16xf32>
    tpu.vector_store %arg11[%swap3A_134, %swap3A_135], %swap3A_138 {strides = array<i32>} : memref<8x64xf32, #tpu.memory_space<vmem>>, vector<1x16xf32>,
    %broadcast_in_dim3A_139 = arith.constant 1 : i32
    %broadcast_in_dim3A_140 = vector.broadcast %broadcast_in_dim3A_139 : i32 to vector<16x1xi32>
    %gather3A_141 = vector.shape_cast %broadcast_in_dim3A_140 : vector<16x1xi32> to vector<16xi32>
    %gather3A_142 = tpu.dynamic_gather %and3A_19[%gather3A_141] in [0] : vector<16xi32>, vector<16xi32> -> vector<16xi32>
    %convert_element_type3A_143 = arith.sitofp %gather3A_142 : vector<16xi32> to vector<16xf32>
    %get3A_144 = arith.constant 1 : i32
    %get3A_145 = arith.index_cast %get3A_144 : i32 to index
    %get3A_146 = arith.constant 0 : index
    %get3A_147 = tpu.vector_load %arg9[%get3A_145, %get3A_146] {strides = array<i32>} : memref<16x128xf32, #tpu.memory_space<vmem>>, vector<1x16xf32>,
    %get3A_148 = vector.shape_cast %get3A_147 : vector<1x16xf32> to vector<16xf32>
    %get3A_149 = arith.constant 1 : i32
    %get3A_150 = arith.index_cast %get3A_149 : i32 to index
    %get3A_151 = arith.constant 64 : index
    %get3A_152 = tpu.vector_load %arg9[%get3A_150, %get3A_151] {strides = array<i32>} : memref<16x128xf32, #tpu.memory_space<vmem>>, vector<1x16xf32>,
    %get3A_153 = vector.shape_cast %get3A_152 : vector<1x16xf32> to vector<16xf32>
    %sub3A_154 = arith.subf %get3A_153, %get3A_148 : vector<16xf32>
    %mul3A_155 = arith.mulf %sub3A_154, %convert_element_type3A_143 : vector<16xf32>
    %add3A_156 = arith.addf %get3A_148, %mul3A_155 : vector<16xf32>
    %get3A_157 = arith.constant 1 : i32
    %get3A_158 = arith.index_cast %get3A_157 : i32 to index
    %get3A_159 = arith.constant 0 : index
    %get3A_160 = tpu.vector_load %arg10[%get3A_158, %get3A_159] {strides = array<i32>} : memref<8x64xf32, #tpu.memory_space<vmem>>, vector<1x16xf32>,
    %get3A_161 = vector.shape_cast %get3A_160 : vector<1x16xf32> to vector<16xf32>
    %mul3A_162 = arith.mulf %add3A_156, %get3A_161 : vector<16xf32>
    %swap3A_163 = arith.constant 1 : i32
    %swap3A_164 = arith.index_cast %swap3A_163 : i32 to index
    %swap3A_165 = arith.constant 0 : index
    %swap3A_166 = tpu.vector_load %arg11[%swap3A_164, %swap3A_165] {strides = array<i32>} : memref<8x64xf32, #tpu.memory_space<vmem>>, vector<1x16xf32>,
    %swap3A_167 = vector.shape_cast %swap3A_166 : vector<1x16xf32> to vector<16xf32>
    %swap3A_168 = vector.shape_cast %mul3A_162 : vector<16xf32> to vector<1x16xf32>
    tpu.vector_store %arg11[%swap3A_164, %swap3A_165], %swap3A_168 {strides = array<i32>} : memref<8x64xf32, #tpu.memory_space<vmem>>, vector<1x16xf32>,
    %get3A_169 = arith.constant 1 : i32
    %get3A_170 = arith.index_cast %get3A_169 : i32 to index
    %get3A_171 = arith.constant 16 : index
    %get3A_172 = tpu.vector_load %arg9[%get3A_170, %get3A_171] {strides = array<i32>} : memref<16x128xf32, #tpu.memory_space<vmem>>, vector<1x16xf32>,
    %get3A_173 = vector.shape_cast %get3A_172 : vector<1x16xf32> to vector<16xf32>
    %get3A_174 = arith.constant 1 : i32
    %get3A_175 = arith.index_cast %get3A_174 : i32 to index
    %get3A_176 = arith.constant 80 : index
    %get3A_177 = tpu.vector_load %arg9[%get3A_175, %get3A_176] {strides = array<i32>} : memref<16x128xf32, #tpu.memory_space<vmem>>, vector<1x16xf32>,
    %get3A_178 = vector.shape_cast %get3A_177 : vector<1x16xf32> to vector<16xf32>
    %sub3A_179 = arith.subf %get3A_178, %get3A_173 : vector<16xf32>
    %mul3A_180 = arith.mulf %sub3A_179, %convert_element_type3A_143 : vector<16xf32>
    %add3A_181 = arith.addf %get3A_173, %mul3A_180 : vector<16xf32>
    %get3A_182 = arith.constant 1 : i32
    %get3A_183 = arith.index_cast %get3A_182 : i32 to index
    %get3A_184 = arith.constant 16 : index
    %get3A_185 = tpu.vector_load %arg10[%get3A_183, %get3A_184] {strides = array<i32>} : memref<8x64xf32, #tpu.memory_space<vmem>>, vector<1x16xf32>,
    %get3A_186 = vector.shape_cast %get3A_185 : vector<1x16xf32> to vector<16xf32>
    %mul3A_187 = arith.mulf %add3A_181, %get3A_186 : vector<16xf32>
    %swap3A_188 = arith.constant 1 : i32
    %swap3A_189 = arith.index_cast %swap3A_188 : i32 to index
    %swap3A_190 = arith.constant 16 : index
    %swap3A_191 = tpu.vector_load %arg11[%swap3A_189, %swap3A_190] {strides = array<i32>} : memref<8x64xf32, #tpu.memory_space<vmem>>, vector<1x16xf32>,
    %swap3A_192 = vector.shape_cast %swap3A_191 : vector<1x16xf32> to vector<16xf32>
    %swap3A_193 = vector.shape_cast %mul3A_187 : vector<16xf32> to vector<1x16xf32>
    tpu.vector_store %arg11[%swap3A_189, %swap3A_190], %swap3A_193 {strides = array<i32>} : memref<8x64xf32, #tpu.memory_space<vmem>>, vector<1x16xf32>,
    %get3A_194 = arith.constant 1 : i32
    %get3A_195 = arith.index_cast %get3A_194 : i32 to index
    %get3A_196 = arith.constant 32 : index
    %get3A_197 = tpu.vector_load %arg9[%get3A_195, %get3A_196] {strides = array<i32>} : memref<16x128xf32, #tpu.memory_space<vmem>>, vector<1x16xf32>,
    %get3A_198 = vector.shape_cast %get3A_197 : vector<1x16xf32> to vector<16xf32>
    %get3A_199 = arith.constant 1 : i32
    %get3A_200 = arith.index_cast %get3A_199 : i32 to index
    %get3A_201 = arith.constant 96 : index
    %get3A_202 = tpu.vector_load %arg9[%get3A_200, %get3A_201] {strides = array<i32>} : memref<16x128xf32, #tpu.memory_space<vmem>>, vector<1x16xf32>,
    %get3A_203 = vector.shape_cast %get3A_202 : vector<1x16xf32> to vector<16xf32>
    %sub3A_204 = arith.subf %get3A_203, %get3A_198 : vector<16xf32>
    %mul3A_205 = arith.mulf %sub3A_204, %convert_element_type3A_143 : vector<16xf32>
    %add3A_206 = arith.addf %get3A_198, %mul3A_205 : vector<16xf32>
    %get3A_207 = arith.constant 1 : i32
    %get3A_208 = arith.index_cast %get3A_207 : i32 to index
    %get3A_209 = arith.constant 32 : index
    %get3A_210 = tpu.vector_load %arg10[%get3A_208, %get3A_209] {strides = array<i32>} : memref<8x64xf32, #tpu.memory_space<vmem>>, vector<1x16xf32>,
    %get3A_211 = vector.shape_cast %get3A_210 : vector<1x16xf32> to vector<16xf32>
    %mul3A_212 = arith.mulf %add3A_206, %get3A_211 : vector<16xf32>
    %swap3A_213 = arith.constant 1 : i32
    %swap3A_214 = arith.index_cast %swap3A_213 : i32 to index
    %swap3A_215 = arith.constant 32 : index
    %swap3A_216 = tpu.vector_load %arg11[%swap3A_214, %swap3A_215] {strides = array<i32>} : memref<8x64xf32, #tpu.memory_space<vmem>>, vector<1x16xf32>,
    %swap3A_217 = vector.shape_cast %swap3A_216 : vector<1x16xf32> to vector<16xf32>
    %swap3A_218 = vector.shape_cast %mul3A_212 : vector<16xf32> to vector<1x16xf32>
    tpu.vector_store %arg11[%swap3A_214, %swap3A_215], %swap3A_218 {strides = array<i32>} : memref<8x64xf32, #tpu.memory_space<vmem>>, vector<1x16xf32>,
    %get3A_219 = arith.constant 1 : i32
    %get3A_220 = arith.index_cast %get3A_219 : i32 to index
    %get3A_221 = arith.constant 48 : index
    %get3A_222 = tpu.vector_load %arg9[%get3A_220, %get3A_221] {strides = array<i32>} : memref<16x128xf32, #tpu.memory_space<vmem>>, vector<1x16xf32>,
    %get3A_223 = vector.shape_cast %get3A_222 : vector<1x16xf32> to vector<16xf32>
    %get3A_224 = arith.constant 1 : i32
    %get3A_225 = arith.index_cast %get3A_224 : i32 to index
    %get3A_226 = arith.constant 112 : index
    %get3A_227 = tpu.vector_load %arg9[%get3A_225, %get3A_226] {strides = array<i32>} : memref<16x128xf32, #tpu.memory_space<vmem>>, vector<1x16xf32>,
    %get3A_228 = vector.shape_cast %get3A_227 : vector<1x16xf32> to vector<16xf32>
    %sub3A_229 = arith.subf %get3A_228, %get3A_223 : vector<16xf32>
    %mul3A_230 = arith.mulf %sub3A_229, %convert_element_type3A_143 : vector<16xf32>
    %add3A_231 = arith.addf %get3A_223, %mul3A_230 : vector<16xf32>
    %get3A_232 = arith.constant 1 : i32
    %get3A_233 = arith.index_cast %get3A_232 : i32 to index
    %get3A_234 = arith.constant 48 : index
    %get3A_235 = tpu.vector_load %arg10[%get3A_233, %get3A_234] {strides = array<i32>} : memref<8x64xf32, #tpu.memory_space<vmem>>, vector<1x16xf32>,
    %get3A_236 = vector.shape_cast %get3A_235 : vector<1x16xf32> to vector<16xf32>
    %mul3A_237 = arith.mulf %add3A_231, %get3A_236 : vector<16xf32>
    %swap3A_238 = arith.constant 1 : i32
    %swap3A_239 = arith.index_cast %swap3A_238 : i32 to index
    %swap3A_240 = arith.constant 48 : index
    %swap3A_241 = tpu.vector_load %arg11[%swap3A_239, %swap3A_240] {strides = array<i32>} : memref<8x64xf32, #tpu.memory_space<vmem>>, vector<1x16xf32>,
    %swap3A_242 = vector.shape_cast %swap3A_241 : vector<1x16xf32> to vector<16xf32>
    %swap3A_243 = vector.shape_cast %mul3A_237 : vector<16xf32> to vector<1x16xf32>
    tpu.vector_store %arg11[%swap3A_239, %swap3A_240], %swap3A_243 {strides = array<i32>} : memref<8x64xf32, #tpu.memory_space<vmem>>, vector<1x16xf32>,
    %broadcast_in_dim3A_244 = arith.constant 2 : i32
    %broadcast_in_dim3A_245 = vector.broadcast %broadcast_in_dim3A_244 : i32 to vector<16x1xi32>
    %gather3A_246 = vector.shape_cast %broadcast_in_dim3A_245 : vector<16x1xi32> to vector<16xi32>
    %gather3A_247 = tpu.dynamic_gather %and3A_19[%gather3A_246] in [0] : vector<16xi32>, vector<16xi32> -> vector<16xi32>
    %convert_element_type3A_248 = arith.sitofp %gather3A_247 : vector<16xi32> to vector<16xf32>
    %get3A_249 = arith.constant 2 : i32
    %get3A_250 = arith.index_cast %get3A_249 : i32 to index
    %get3A_251 = arith.constant 0 : index
    %get3A_252 = tpu.vector_load %arg9[%get3A_250, %get3A_251] {strides = array<i32>} : memref<16x128xf32, #tpu.memory_space<vmem>>, vector<1x16xf32>,
    %get3A_253 = vector.shape_cast %get3A_252 : vector<1x16xf32> to vector<16xf32>
    %get3A_254 = arith.constant 2 : i32
    %get3A_255 = arith.index_cast %get3A_254 : i32 to index
    %get3A_256 = arith.constant 64 : index
    %get3A_257 = tpu.vector_load %arg9[%get3A_255, %get3A_256] {strides = array<i32>} : memref<16x128xf32, #tpu.memory_space<vmem>>, vector<1x16xf32>,
    %get3A_258 = vector.shape_cast %get3A_257 : vector<1x16xf32> to vector<16xf32>
    %sub3A_259 = arith.subf %get3A_258, %get3A_253 : vector<16xf32>
    %mul3A_260 = arith.mulf %sub3A_259, %convert_element_type3A_248 : vector<16xf32>
    %add3A_261 = arith.addf %get3A_253, %mul3A_260 : vector<16xf32>
    %get3A_262 = arith.constant 2 : i32
    %get3A_263 = arith.index_cast %get3A_262 : i32 to index
    %get3A_264 = arith.constant 0 : index
    %get3A_265 = tpu.vector_load %arg10[%get3A_263, %get3A_264] {strides = array<i32>} : memref<8x64xf32, #tpu.memory_space<vmem>>, vector<1x16xf32>,
    %get3A_266 = vector.shape_cast %get3A_265 : vector<1x16xf32> to vector<16xf32>
    %mul3A_267 = arith.mulf %add3A_261, %get3A_266 : vector<16xf32>
    %swap3A_268 = arith.constant 2 : i32
    %swap3A_269 = arith.index_cast %swap3A_268 : i32 to index
    %swap3A_270 = arith.constant 0 : index
    %swap3A_271 = tpu.vector_load %arg11[%swap3A_269, %swap3A_270] {strides = array<i32>} : memref<8x64xf32, #tpu.memory_space<vmem>>, vector<1x16xf32>,
    %swap3A_272 = vector.shape_cast %swap3A_271 : vector<1x16xf32> to vector<16xf32>
    %swap3A_273 = vector.shape_cast %mul3A_267 : vector<16xf32> to vector<1x16xf32>
    tpu.vector_store %arg11[%swap3A_269, %swap3A_270], %swap3A_273 {strides = array<i32>} : memref<8x64xf32, #tpu.memory_space<vmem>>, vector<1x16xf32>,
    %get3A_274 = arith.constant 2 : i32
    %get3A_275 = arith.index_cast %get3A_274 : i32 to index
    %get3A_276 = arith.constant 16 : index
    %get3A_277 = tpu.vector_load %arg9[%get3A_275, %get3A_276] {strides = array<i32>} : memref<16x128xf32, #tpu.memory_space<vmem>>, vector<1x16xf32>,
    %get3A_278 = vector.shape_cast %get3A_277 : vector<1x16xf32> to vector<16xf32>
    %get3A_279 = arith.constant 2 : i32
    %get3A_280 = arith.index_cast %get3A_279 : i32 to index
    %get3A_281 = arith.constant 80 : index
    %get3A_282 = tpu.vector_load %arg9[%get3A_280, %get3A_281] {strides = array<i32>} : memref<16x128xf32, #tpu.memory_space<vmem>>, vector<1x16xf32>,
    %get3A_283 = vector.shape_cast %get3A_282 : vector<1x16xf32> to vector<16xf32>
    %sub3A_284 = arith.subf %get3A_283, %get3A_278 : vector<16xf32>
    %mul3A_285 = arith.mulf %sub3A_284, %convert_element_type3A_248 : vector<16xf32>
    %add3A_286 = arith.addf %get3A_278, %mul3A_285 : vector<16xf32>
    %get3A_287 = arith.constant 2 : i32
    %get3A_288 = arith.index_cast %get3A_287 : i32 to index
    %get3A_289 = arith.constant 16 : index
    %get3A_290 = tpu.vector_load %arg10[%get3A_288, %get3A_289] {strides = array<i32>} : memref<8x64xf32, #tpu.memory_space<vmem>>, vector<1x16xf32>,
    %get3A_291 = vector.shape_cast %get3A_290 : vector<1x16xf32> to vector<16xf32>
    %mul3A_292 = arith.mulf %add3A_286, %get3A_291 : vector<16xf32>
    %swap3A_293 = arith.constant 2 : i32
    %swap3A_294 = arith.index_cast %swap3A_293 : i32 to index
    %swap3A_295 = arith.constant 16 : index
    %swap3A_296 = tpu.vector_load %arg11[%swap3A_294, %swap3A_295] {strides = array<i32>} : memref<8x64xf32, #tpu.memory_space<vmem>>, vector<1x16xf32>,
    %swap3A_297 = vector.shape_cast %swap3A_296 : vector<1x16xf32> to vector<16xf32>
    %swap3A_298 = vector.shape_cast %mul3A_292 : vector<16xf32> to vector<1x16xf32>
    tpu.vector_store %arg11[%swap3A_294, %swap3A_295], %swap3A_298 {strides = array<i32>} : memref<8x64xf32, #tpu.memory_space<vmem>>, vector<1x16xf32>,
    %get3A_299 = arith.constant 2 : i32
    %get3A_300 = arith.index_cast %get3A_299 : i32 to index
    %get3A_301 = arith.constant 32 : index
    %get3A_302 = tpu.vector_load %arg9[%get3A_300, %get3A_301] {strides = array<i32>} : memref<16x128xf32, #tpu.memory_space<vmem>>, vector<1x16xf32>,
    %get3A_303 = vector.shape_cast %get3A_302 : vector<1x16xf32> to vector<16xf32>
    %get3A_304 = arith.constant 2 : i32
    %get3A_305 = arith.index_cast %get3A_304 : i32 to index
    %get3A_306 = arith.constant 96 : index
    %get3A_307 = tpu.vector_load %arg9[%get3A_305, %get3A_306] {strides = array<i32>} : memref<16x128xf32, #tpu.memory_space<vmem>>, vector<1x16xf32>,
    %get3A_308 = vector.shape_cast %get3A_307 : vector<1x16xf32> to vector<16xf32>
    %sub3A_309 = arith.subf %get3A_308, %get3A_303 : vector<16xf32>
    %mul3A_310 = arith.mulf %sub3A_309, %convert_element_type3A_248 : vector<16xf32>
    %add3A_311 = arith.addf %get3A_303, %mul3A_310 : vector<16xf32>
    %get3A_312 = arith.constant 2 : i32
    %get3A_313 = arith.index_cast %get3A_312 : i32 to index
    %get3A_314 = arith.constant 32 : index
    %get3A_315 = tpu.vector_load %arg10[%get3A_313, %get3A_314] {strides = array<i32>} : memref<8x64xf32, #tpu.memory_space<vmem>>, vector<1x16xf32>,
    %get3A_316 = vector.shape_cast %get3A_315 : vector<1x16xf32> to vector<16xf32>
    %mul3A_317 = arith.mulf %add3A_311, %get3A_316 : vector<16xf32>
    %swap3A_318 = arith.constant 2 : i32
    %swap3A_319 = arith.index_cast %swap3A_318 : i32 to index
    %swap3A_320 = arith.constant 32 : index
    %swap3A_321 = tpu.vector_load %arg11[%swap3A_319, %swap3A_320] {strides = array<i32>} : memref<8x64xf32, #tpu.memory_space<vmem>>, vector<1x16xf32>,
    %swap3A_322 = vector.shape_cast %swap3A_321 : vector<1x16xf32> to vector<16xf32>
    %swap3A_323 = vector.shape_cast %mul3A_317 : vector<16xf32> to vector<1x16xf32>
    tpu.vector_store %arg11[%swap3A_319, %swap3A_320], %swap3A_323 {strides = array<i32>} : memref<8x64xf32, #tpu.memory_space<vmem>>, vector<1x16xf32>,
    %get3A_324 = arith.constant 2 : i32
    %get3A_325 = arith.index_cast %get3A_324 : i32 to index
    %get3A_326 = arith.constant 48 : index
    %get3A_327 = tpu.vector_load %arg9[%get3A_325, %get3A_326] {strides = array<i32>} : memref<16x128xf32, #tpu.memory_space<vmem>>, vector<1x16xf32>,
    %get3A_328 = vector.shape_cast %get3A_327 : vector<1x16xf32> to vector<16xf32>
    %get3A_329 = arith.constant 2 : i32
    %get3A_330 = arith.index_cast %get3A_329 : i32 to index
    %get3A_331 = arith.constant 112 : index
    %get3A_332 = tpu.vector_load %arg9[%get3A_330, %get3A_331] {strides = array<i32>} : memref<16x128xf32, #tpu.memory_space<vmem>>, vector<1x16xf32>,
    %get3A_333 = vector.shape_cast %get3A_332 : vector<1x16xf32> to vector<16xf32>
    %sub3A_334 = arith.subf %get3A_333, %get3A_328 : vector<16xf32>
    %mul3A_335 = arith.mulf %sub3A_334, %convert_element_type3A_248 : vector<16xf32>
    %add3A_336 = arith.addf %get3A_328, %mul3A_335 : vector<16xf32>
    %get3A_337 = arith.constant 2 : i32
    %get3A_338 = arith.index_cast %get3A_337 : i32 to index
    %get3A_339 = arith.constant 48 : index
    %get3A_340 = tpu.vector_load %arg10[%get3A_338, %get3A_339] {strides = array<i32>} : memref<8x64xf32, #tpu.memory_space<vmem>>, vector<1x16xf32>,
    %get3A_341 = vector.shape_cast %get3A_340 : vector<1x16xf32> to vector<16xf32>
    %mul3A_342 = arith.mulf %add3A_336, %get3A_341 : vector<16xf32>
    %swap3A_343 = arith.constant 2 : i32
    %swap3A_344 = arith.index_cast %swap3A_343 : i32 to index
    %swap3A_345 = arith.constant 48 : index
    %swap3A_346 = tpu.vector_load %arg11[%swap3A_344, %swap3A_345] {strides = array<i32>} : memref<8x64xf32, #tpu.memory_space<vmem>>, vector<1x16xf32>,
    %swap3A_347 = vector.shape_cast %swap3A_346 : vector<1x16xf32> to vector<16xf32>
    %swap3A_348 = vector.shape_cast %mul3A_342 : vector<16xf32> to vector<1x16xf32>
    tpu.vector_store %arg11[%swap3A_344, %swap3A_345], %swap3A_348 {strides = array<i32>} : memref<8x64xf32, #tpu.memory_space<vmem>>, vector<1x16xf32>,
    %broadcast_in_dim3A_349 = arith.constant 3 : i32
    %broadcast_in_dim3A_350 = vector.broadcast %broadcast_in_dim3A_349 : i32 to vector<16x1xi32>
    %gather3A_351 = vector.shape_cast %broadcast_in_dim3A_350 : vector<16x1xi32> to vector<16xi32>
    %gather3A_352 = tpu.dynamic_gather %and3A_19[%gather3A_351] in [0] : vector<16xi32>, vector<16xi32> -> vector<16xi32>
    %convert_element_type3A_353 = arith.sitofp %gather3A_352 : vector<16xi32> to vector<16xf32>
    %get3A_354 = arith.constant 3 : i32
    %get3A_355 = arith.index_cast %get3A_354 : i32 to index
    %get3A_356 = arith.constant 0 : index
    %get3A_357 = tpu.vector_load %arg9[%get3A_355, %get3A_356] {strides = array<i32>} : memref<16x128xf32, #tpu.memory_space<vmem>>, vector<1x16xf32>,
    %get3A_358 = vector.shape_cast %get3A_357 : vector<1x16xf32> to vector<16xf32>
    %get3A_359 = arith.constant 3 : i32
    %get3A_360 = arith.index_cast %get3A_359 : i32 to index
    %get3A_361 = arith.constant 64 : index
    %get3A_362 = tpu.vector_load %arg9[%get3A_360, %get3A_361] {strides = array<i32>} : memref<16x128xf32, #tpu.memory_space<vmem>>, vector<1x16xf32>,
    %get3A_363 = vector.shape_cast %get3A_362 : vector<1x16xf32> to vector<16xf32>
    %sub3A_364 = arith.subf %get3A_363, %get3A_358 : vector<16xf32>
    %mul3A_365 = arith.mulf %sub3A_364, %convert_element_type3A_353 : vector<16xf32>
    %add3A_366 = arith.addf %get3A_358, %mul3A_365 : vector<16xf32>
    %get3A_367 = arith.constant 3 : i32
    %get3A_368 = arith.index_cast %get3A_367 : i32 to index
    %get3A_369 = arith.constant 0 : index
    %get3A_370 = tpu.vector_load %arg10[%get3A_368, %get3A_369] {strides = array<i32>} : memref<8x64xf32, #tpu.memory_space<vmem>>, vector<1x16xf32>,
    %get3A_371 = vector.shape_cast %get3A_370 : vector<1x16xf32> to vector<16xf32>
    %mul3A_372 = arith.mulf %add3A_366, %get3A_371 : vector<16xf32>
    %swap3A_373 = arith.constant 3 : i32
    %swap3A_374 = arith.index_cast %swap3A_373 : i32 to index
    %swap3A_375 = arith.constant 0 : index
    %swap3A_376 = tpu.vector_load %arg11[%swap3A_374, %swap3A_375] {strides = array<i32>} : memref<8x64xf32, #tpu.memory_space<vmem>>, vector<1x16xf32>,
    %swap3A_377 = vector.shape_cast %swap3A_376 : vector<1x16xf32> to vector<16xf32>
    %swap3A_378 = vector.shape_cast %mul3A_372 : vector<16xf32> to vector<1x16xf32>
    tpu.vector_store %arg11[%swap3A_374, %swap3A_375], %swap3A_378 {strides = array<i32>} : memref<8x64xf32, #tpu.memory_space<vmem>>, vector<1x16xf32>,
    %get3A_379 = arith.constant 3 : i32
    %get3A_380 = arith.index_cast %get3A_379 : i32 to index
    %get3A_381 = arith.constant 16 : index
    %get3A_382 = tpu.vector_load %arg9[%get3A_380, %get3A_381] {strides = array<i32>} : memref<16x128xf32, #tpu.memory_space<vmem>>, vector<1x16xf32>,
    %get3A_383 = vector.shape_cast %get3A_382 : vector<1x16xf32> to vector<16xf32>
    %get3A_384 = arith.constant 3 : i32
    %get3A_385 = arith.index_cast %get3A_384 : i32 to index
    %get3A_386 = arith.constant 80 : index
    %get3A_387 = tpu.vector_load %arg9[%get3A_385, %get3A_386] {strides = array<i32>} : memref<16x128xf32, #tpu.memory_space<vmem>>, vector<1x16xf32>,
    %get3A_388 = vector.shape_cast %get3A_387 : vector<1x16xf32> to vector<16xf32>
    %sub3A_389 = arith.subf %get3A_388, %get3A_383 : vector<16xf32>
    %mul3A_390 = arith.mulf %sub3A_389, %convert_element_type3A_353 : vector<16xf32>
    %add3A_391 = arith.addf %get3A_383, %mul3A_390 : vector<16xf32>
    %get3A_392 = arith.constant 3 : i32
    %get3A_393 = arith.index_cast %get3A_392 : i32 to index
    %get3A_394 = arith.constant 16 : index
    %get3A_395 = tpu.vector_load %arg10[%get3A_393, %get3A_394] {strides = array<i32>} : memref<8x64xf32, #tpu.memory_space<vmem>>, vector<1x16xf32>,
    %get3A_396 = vector.shape_cast %get3A_395 : vector<1x16xf32> to vector<16xf32>
    %mul3A_397 = arith.mulf %add3A_391, %get3A_396 : vector<16xf32>
    %swap3A_398 = arith.constant 3 : i32
    %swap3A_399 = arith.index_cast %swap3A_398 : i32 to index
    %swap3A_400 = arith.constant 16 : index
    %swap3A_401 = tpu.vector_load %arg11[%swap3A_399, %swap3A_400] {strides = array<i32>} : memref<8x64xf32, #tpu.memory_space<vmem>>, vector<1x16xf32>,
    %swap3A_402 = vector.shape_cast %swap3A_401 : vector<1x16xf32> to vector<16xf32>
    %swap3A_403 = vector.shape_cast %mul3A_397 : vector<16xf32> to vector<1x16xf32>
    tpu.vector_store %arg11[%swap3A_399, %swap3A_400], %swap3A_403 {strides = array<i32>} : memref<8x64xf32, #tpu.memory_space<vmem>>, vector<1x16xf32>,
    %get3A_404 = arith.constant 3 : i32
    %get3A_405 = arith.index_cast %get3A_404 : i32 to index
    %get3A_406 = arith.constant 32 : index
    %get3A_407 = tpu.vector_load %arg9[%get3A_405, %get3A_406] {strides = array<i32>} : memref<16x128xf32, #tpu.memory_space<vmem>>, vector<1x16xf32>,
    %get3A_408 = vector.shape_cast %get3A_407 : vector<1x16xf32> to vector<16xf32>
    %get3A_409 = arith.constant 3 : i32
    %get3A_410 = arith.index_cast %get3A_409 : i32 to index
    %get3A_411 = arith.constant 96 : index
    %get3A_412 = tpu.vector_load %arg9[%get3A_410, %get3A_411] {strides = array<i32>} : memref<16x128xf32, #tpu.memory_space<vmem>>, vector<1x16xf32>,
    %get3A_413 = vector.shape_cast %get3A_412 : vector<1x16xf32> to vector<16xf32>
    %sub3A_414 = arith.subf %get3A_413, %get3A_408 : vector<16xf32>
    %mul3A_415 = arith.mulf %sub3A_414, %convert_element_type3A_353 : vector<16xf32>
    %add3A_416 = arith.addf %get3A_408, %mul3A_415 : vector<16xf32>
    %get3A_417 = arith.constant 3 : i32
    %get3A_418 = arith.index_cast %get3A_417 : i32 to index
    %get3A_419 = arith.constant 32 : index
    %get3A_420 = tpu.vector_load %arg10[%get3A_418, %get3A_419] {strides = array<i32>} : memref<8x64xf32, #tpu.memory_space<vmem>>, vector<1x16xf32>,
    %get3A_421 = vector.shape_cast %get3A_420 : vector<1x16xf32> to vector<16xf32>
    %mul3A_422 = arith.mulf %add3A_416, %get3A_421 : vector<16xf32>
    %swap3A_423 = arith.constant 3 : i32
    %swap3A_424 = arith.index_cast %swap3A_423 : i32 to index
    %swap3A_425 = arith.constant 32 : index
    %swap3A_426 = tpu.vector_load %arg11[%swap3A_424, %swap3A_425] {strides = array<i32>} : memref<8x64xf32, #tpu.memory_space<vmem>>, vector<1x16xf32>,
    %swap3A_427 = vector.shape_cast %swap3A_426 : vector<1x16xf32> to vector<16xf32>
    %swap3A_428 = vector.shape_cast %mul3A_422 : vector<16xf32> to vector<1x16xf32>
    tpu.vector_store %arg11[%swap3A_424, %swap3A_425], %swap3A_428 {strides = array<i32>} : memref<8x64xf32, #tpu.memory_space<vmem>>, vector<1x16xf32>,
    %get3A_429 = arith.constant 3 : i32
    %get3A_430 = arith.index_cast %get3A_429 : i32 to index
    %get3A_431 = arith.constant 48 : index
    %get3A_432 = tpu.vector_load %arg9[%get3A_430, %get3A_431] {strides = array<i32>} : memref<16x128xf32, #tpu.memory_space<vmem>>, vector<1x16xf32>,
    %get3A_433 = vector.shape_cast %get3A_432 : vector<1x16xf32> to vector<16xf32>
    %get3A_434 = arith.constant 3 : i32
    %get3A_435 = arith.index_cast %get3A_434 : i32 to index
    %get3A_436 = arith.constant 112 : index
    %get3A_437 = tpu.vector_load %arg9[%get3A_435, %get3A_436] {strides = array<i32>} : memref<16x128xf32, #tpu.memory_space<vmem>>, vector<1x16xf32>,
    %get3A_438 = vector.shape_cast %get3A_437 : vector<1x16xf32> to vector<16xf32>
    %sub3A_439 = arith.subf %get3A_438, %get3A_433 : vector<16xf32>
    %mul3A_440 = arith.mulf %sub3A_439, %convert_element_type3A_353 : vector<16xf32>
    %add3A_441 = arith.addf %get3A_433, %mul3A_440 : vector<16xf32>
    %get3A_442 = arith.constant 3 : i32
    %get3A_443 = arith.index_cast %get3A_442 : i32 to index
    %get3A_444 = arith.constant 48 : index
    %get3A_445 = tpu.vector_load %arg10[%get3A_443, %get3A_444] {strides = array<i32>} : memref<8x64xf32, #tpu.memory_space<vmem>>, vector<1x16xf32>,
    %get3A_446 = vector.shape_cast %get3A_445 : vector<1x16xf32> to vector<16xf32>
    %mul3A_447 = arith.mulf %add3A_441, %get3A_446 : vector<16xf32>
    %swap3A_448 = arith.constant 3 : i32
    %swap3A_449 = arith.index_cast %swap3A_448 : i32 to index
    %swap3A_450 = arith.constant 48 : index
    %swap3A_451 = tpu.vector_load %arg11[%swap3A_449, %swap3A_450] {strides = array<i32>} : memref<8x64xf32, #tpu.memory_space<vmem>>, vector<1x16xf32>,
    %swap3A_452 = vector.shape_cast %swap3A_451 : vector<1x16xf32> to vector<16xf32>
    %swap3A_453 = vector.shape_cast %mul3A_447 : vector<16xf32> to vector<1x16xf32>
    tpu.vector_store %arg11[%swap3A_449, %swap3A_450], %swap3A_453 {strides = array<i32>} : memref<8x64xf32, #tpu.memory_space<vmem>>, vector<1x16xf32>,
    %broadcast_in_dim3A_454 = arith.constant 4 : i32
    %broadcast_in_dim3A_455 = vector.broadcast %broadcast_in_dim3A_454 : i32 to vector<16x1xi32>
    %gather3A_456 = vector.shape_cast %broadcast_in_dim3A_455 : vector<16x1xi32> to vector<16xi32>
    %gather3A_457 = tpu.dynamic_gather %and3A_19[%gather3A_456] in [0] : vector<16xi32>, vector<16xi32> -> vector<16xi32>
    %convert_element_type3A_458 = arith.sitofp %gather3A_457 : vector<16xi32> to vector<16xf32>
    %get3A_459 = arith.constant 4 : i32
    %get3A_460 = arith.index_cast %get3A_459 : i32 to index
    %get3A_461 = arith.constant 0 : index
    %get3A_462 = tpu.vector_load %arg9[%get3A_460, %get3A_461] {strides = array<i32>} : memref<16x128xf32, #tpu.memory_space<vmem>>, vector<1x16xf32>,
    %get3A_463 = vector.shape_cast %get3A_462 : vector<1x16xf32> to vector<16xf32>
    %get3A_464 = arith.constant 4 : i32
    %get3A_465 = arith.index_cast %get3A_464 : i32 to index
    %get3A_466 = arith.constant 64 : index
    %get3A_467 = tpu.vector_load %arg9[%get3A_465, %get3A_466] {strides = array<i32>} : memref<16x128xf32, #tpu.memory_space<vmem>>, vector<1x16xf32>,
    %get3A_468 = vector.shape_cast %get3A_467 : vector<1x16xf32> to vector<16xf32>
    %sub3A_469 = arith.subf %get3A_468, %get3A_463 : vector<16xf32>
    %mul3A_470 = arith.mulf %sub3A_469, %convert_element_type3A_458 : vector<16xf32>
    %add3A_471 = arith.addf %get3A_463, %mul3A_470 : vector<16xf32>
    %get3A_472 = arith.constant 4 : i32
    %get3A_473 = arith.index_cast %get3A_472 : i32 to index
    %get3A_474 = arith.constant 0 : index
    %get3A_475 = tpu.vector_load %arg10[%get3A_473, %get3A_474] {strides = array<i32>} : memref<8x64xf32, #tpu.memory_space<vmem>>, vector<1x16xf32>,
    %get3A_476 = vector.shape_cast %get3A_475 : vector<1x16xf32> to vector<16xf32>
    %mul3A_477 = arith.mulf %add3A_471, %get3A_476 : vector<16xf32>
    %swap3A_478 = arith.constant 4 : i32
    %swap3A_479 = arith.index_cast %swap3A_478 : i32 to index
    %swap3A_480 = arith.constant 0 : index
    %swap3A_481 = tpu.vector_load %arg11[%swap3A_479, %swap3A_480] {strides = array<i32>} : memref<8x64xf32, #tpu.memory_space<vmem>>, vector<1x16xf32>,
    %swap3A_482 = vector.shape_cast %swap3A_481 : vector<1x16xf32> to vector<16xf32>
    %swap3A_483 = vector.shape_cast %mul3A_477 : vector<16xf32> to vector<1x16xf32>
    tpu.vector_store %arg11[%swap3A_479, %swap3A_480], %swap3A_483 {strides = array<i32>} : memref<8x64xf32, #tpu.memory_space<vmem>>, vector<1x16xf32>,
    %get3A_484 = arith.constant 4 : i32
    %get3A_485 = arith.index_cast %get3A_484 : i32 to index
    %get3A_486 = arith.constant 16 : index
    %get3A_487 = tpu.vector_load %arg9[%get3A_485, %get3A_486] {strides = array<i32>} : memref<16x128xf32, #tpu.memory_space<vmem>>, vector<1x16xf32>,
    %get3A_488 = vector.shape_cast %get3A_487 : vector<1x16xf32> to vector<16xf32>
    %get3A_489 = arith.constant 4 : i32
    %get3A_490 = arith.index_cast %get3A_489 : i32 to index
    %get3A_491 = arith.constant 80 : index
    %get3A_492 = tpu.vector_load %arg9[%get3A_490, %get3A_491] {strides = array<i32>} : memref<16x128xf32, #tpu.memory_space<vmem>>, vector<1x16xf32>,
    %get3A_493 = vector.shape_cast %get3A_492 : vector<1x16xf32> to vector<16xf32>
    %sub3A_494 = arith.subf %get3A_493, %get3A_488 : vector<16xf32>
    %mul3A_495 = arith.mulf %sub3A_494, %convert_element_type3A_458 : vector<16xf32>
    %add3A_496 = arith.addf %get3A_488, %mul3A_495 : vector<16xf32>
    %get3A_497 = arith.constant 4 : i32
    %get3A_498 = arith.index_cast %get3A_497 : i32 to index
    %get3A_499 = arith.constant 16 : index
    %get3A_500 = tpu.vector_load %arg10[%get3A_498, %get3A_499] {strides = array<i32>} : memref<8x64xf32, #tpu.memory_space<vmem>>, vector<1x16xf32>,
    %get3A_501 = vector.shape_cast %get3A_500 : vector<1x16xf32> to vector<16xf32>
    %mul3A_502 = arith.mulf %add3A_496, %get3A_501 : vector<16xf32>
    %swap3A_503 = arith.constant 4 : i32
    %swap3A_504 = arith.index_cast %swap3A_503 : i32 to index
    %swap3A_505 = arith.constant 16 : index
    %swap3A_506 = tpu.vector_load %arg11[%swap3A_504, %swap3A_505] {strides = array<i32>} : memref<8x64xf32, #tpu.memory_space<vmem>>, vector<1x16xf32>,
    %swap3A_507 = vector.shape_cast %swap3A_506 : vector<1x16xf32> to vector<16xf32>
    %swap3A_508 = vector.shape_cast %mul3A_502 : vector<16xf32> to vector<1x16xf32>
    tpu.vector_store %arg11[%swap3A_504, %swap3A_505], %swap3A_508 {strides = array<i32>} : memref<8x64xf32, #tpu.memory_space<vmem>>, vector<1x16xf32>,
    %get3A_509 = arith.constant 4 : i32
    %get3A_510 = arith.index_cast %get3A_509 : i32 to index
    %get3A_511 = arith.constant 32 : index
    %get3A_512 = tpu.vector_load %arg9[%get3A_510, %get3A_511] {strides = array<i32>} : memref<16x128xf32, #tpu.memory_space<vmem>>, vector<1x16xf32>,
    %get3A_513 = vector.shape_cast %get3A_512 : vector<1x16xf32> to vector<16xf32>
    %get3A_514 = arith.constant 4 : i32
    %get3A_515 = arith.index_cast %get3A_514 : i32 to index
    %get3A_516 = arith.constant 96 : index
    %get3A_517 = tpu.vector_load %arg9[%get3A_515, %get3A_516] {strides = array<i32>} : memref<16x128xf32, #tpu.memory_space<vmem>>, vector<1x16xf32>,
    %get3A_518 = vector.shape_cast %get3A_517 : vector<1x16xf32> to vector<16xf32>
    %sub3A_519 = arith.subf %get3A_518, %get3A_513 : vector<16xf32>
    %mul3A_520 = arith.mulf %sub3A_519, %convert_element_type3A_458 : vector<16xf32>
    %add3A_521 = arith.addf %get3A_513, %mul3A_520 : vector<16xf32>
    %get3A_522 = arith.constant 4 : i32
    %get3A_523 = arith.index_cast %get3A_522 : i32 to index
    %get3A_524 = arith.constant 32 : index
    %get3A_525 = tpu.vector_load %arg10[%get3A_523, %get3A_524] {strides = array<i32>} : memref<8x64xf32, #tpu.memory_space<vmem>>, vector<1x16xf32>,
    %get3A_526 = vector.shape_cast %get3A_525 : vector<1x16xf32> to vector<16xf32>
    %mul3A_527 = arith.mulf %add3A_521, %get3A_526 : vector<16xf32>
    %swap3A_528 = arith.constant 4 : i32
    %swap3A_529 = arith.index_cast %swap3A_528 : i32 to index
    %swap3A_530 = arith.constant 32 : index
    %swap3A_531 = tpu.vector_load %arg11[%swap3A_529, %swap3A_530] {strides = array<i32>} : memref<8x64xf32, #tpu.memory_space<vmem>>, vector<1x16xf32>,
    %swap3A_532 = vector.shape_cast %swap3A_531 : vector<1x16xf32> to vector<16xf32>
    %swap3A_533 = vector.shape_cast %mul3A_527 : vector<16xf32> to vector<1x16xf32>
    tpu.vector_store %arg11[%swap3A_529, %swap3A_530], %swap3A_533 {strides = array<i32>} : memref<8x64xf32, #tpu.memory_space<vmem>>, vector<1x16xf32>,
    %get3A_534 = arith.constant 4 : i32
    %get3A_535 = arith.index_cast %get3A_534 : i32 to index
    %get3A_536 = arith.constant 48 : index
    %get3A_537 = tpu.vector_load %arg9[%get3A_535, %get3A_536] {strides = array<i32>} : memref<16x128xf32, #tpu.memory_space<vmem>>, vector<1x16xf32>,
    %get3A_538 = vector.shape_cast %get3A_537 : vector<1x16xf32> to vector<16xf32>
    %get3A_539 = arith.constant 4 : i32
    %get3A_540 = arith.index_cast %get3A_539 : i32 to index
    %get3A_541 = arith.constant 112 : index
    %get3A_542 = tpu.vector_load %arg9[%get3A_540, %get3A_541] {strides = array<i32>} : memref<16x128xf32, #tpu.memory_space<vmem>>, vector<1x16xf32>,
    %get3A_543 = vector.shape_cast %get3A_542 : vector<1x16xf32> to vector<16xf32>
    %sub3A_544 = arith.subf %get3A_543, %get3A_538 : vector<16xf32>
    %mul3A_545 = arith.mulf %sub3A_544, %convert_element_type3A_458 : vector<16xf32>
    %add3A_546 = arith.addf %get3A_538, %mul3A_545 : vector<16xf32>
    %get3A_547 = arith.constant 4 : i32
    %get3A_548 = arith.index_cast %get3A_547 : i32 to index
    %get3A_549 = arith.constant 48 : index
    %get3A_550 = tpu.vector_load %arg10[%get3A_548, %get3A_549] {strides = array<i32>} : memref<8x64xf32, #tpu.memory_space<vmem>>, vector<1x16xf32>,
    %get3A_551 = vector.shape_cast %get3A_550 : vector<1x16xf32> to vector<16xf32>
    %mul3A_552 = arith.mulf %add3A_546, %get3A_551 : vector<16xf32>
    %swap3A_553 = arith.constant 4 : i32
    %swap3A_554 = arith.index_cast %swap3A_553 : i32 to index
    %swap3A_555 = arith.constant 48 : index
    %swap3A_556 = tpu.vector_load %arg11[%swap3A_554, %swap3A_555] {strides = array<i32>} : memref<8x64xf32, #tpu.memory_space<vmem>>, vector<1x16xf32>,
    %swap3A_557 = vector.shape_cast %swap3A_556 : vector<1x16xf32> to vector<16xf32>
    %swap3A_558 = vector.shape_cast %mul3A_552 : vector<16xf32> to vector<1x16xf32>
    tpu.vector_store %arg11[%swap3A_554, %swap3A_555], %swap3A_558 {strides = array<i32>} : memref<8x64xf32, #tpu.memory_space<vmem>>, vector<1x16xf32>,
    %broadcast_in_dim3A_559 = arith.constant 5 : i32
    %broadcast_in_dim3A_560 = vector.broadcast %broadcast_in_dim3A_559 : i32 to vector<16x1xi32>
    %gather3A_561 = vector.shape_cast %broadcast_in_dim3A_560 : vector<16x1xi32> to vector<16xi32>
    %gather3A_562 = tpu.dynamic_gather %and3A_19[%gather3A_561] in [0] : vector<16xi32>, vector<16xi32> -> vector<16xi32>
    %convert_element_type3A_563 = arith.sitofp %gather3A_562 : vector<16xi32> to vector<16xf32>
    %get3A_564 = arith.constant 5 : i32
    %get3A_565 = arith.index_cast %get3A_564 : i32 to index
    %get3A_566 = arith.constant 0 : index
    %get3A_567 = tpu.vector_load %arg9[%get3A_565, %get3A_566] {strides = array<i32>} : memref<16x128xf32, #tpu.memory_space<vmem>>, vector<1x16xf32>,
    %get3A_568 = vector.shape_cast %get3A_567 : vector<1x16xf32> to vector<16xf32>
    %get3A_569 = arith.constant 5 : i32
    %get3A_570 = arith.index_cast %get3A_569 : i32 to index
    %get3A_571 = arith.constant 64 : index
    %get3A_572 = tpu.vector_load %arg9[%get3A_570, %get3A_571] {strides = array<i32>} : memref<16x128xf32, #tpu.memory_space<vmem>>, vector<1x16xf32>,
    %get3A_573 = vector.shape_cast %get3A_572 : vector<1x16xf32> to vector<16xf32>
    %sub3A_574 = arith.subf %get3A_573, %get3A_568 : vector<16xf32>
    %mul3A_575 = arith.mulf %sub3A_574, %convert_element_type3A_563 : vector<16xf32>
    %add3A_576 = arith.addf %get3A_568, %mul3A_575 : vector<16xf32>
    %get3A_577 = arith.constant 5 : i32
    %get3A_578 = arith.index_cast %get3A_577 : i32 to index
    %get3A_579 = arith.constant 0 : index
    %get3A_580 = tpu.vector_load %arg10[%get3A_578, %get3A_579] {strides = array<i32>} : memref<8x64xf32, #tpu.memory_space<vmem>>, vector<1x16xf32>,
    %get3A_581 = vector.shape_cast %get3A_580 : vector<1x16xf32> to vector<16xf32>
    %mul3A_582 = arith.mulf %add3A_576, %get3A_581 : vector<16xf32>
    %swap3A_583 = arith.constant 5 : i32
    %swap3A_584 = arith.index_cast %swap3A_583 : i32 to index
    %swap3A_585 = arith.constant 0 : index
    %swap3A_586 = tpu.vector_load %arg11[%swap3A_584, %swap3A_585] {strides = array<i32>} : memref<8x64xf32, #tpu.memory_space<vmem>>, vector<1x16xf32>,
    %swap3A_587 = vector.shape_cast %swap3A_586 : vector<1x16xf32> to vector<16xf32>
    %swap3A_588 = vector.shape_cast %mul3A_582 : vector<16xf32> to vector<1x16xf32>
    tpu.vector_store %arg11[%swap3A_584, %swap3A_585], %swap3A_588 {strides = array<i32>} : memref<8x64xf32, #tpu.memory_space<vmem>>, vector<1x16xf32>,
    %get3A_589 = arith.constant 5 : i32
    %get3A_590 = arith.index_cast %get3A_589 : i32 to index
    %get3A_591 = arith.constant 16 : index
    %get3A_592 = tpu.vector_load %arg9[%get3A_590, %get3A_591] {strides = array<i32>} : memref<16x128xf32, #tpu.memory_space<vmem>>, vector<1x16xf32>,
    %get3A_593 = vector.shape_cast %get3A_592 : vector<1x16xf32> to vector<16xf32>
    %get3A_594 = arith.constant 5 : i32
    %get3A_595 = arith.index_cast %get3A_594 : i32 to index
    %get3A_596 = arith.constant 80 : index
    %get3A_597 = tpu.vector_load %arg9[%get3A_595, %get3A_596] {strides = array<i32>} : memref<16x128xf32, #tpu.memory_space<vmem>>, vector<1x16xf32>,
    %get3A_598 = vector.shape_cast %get3A_597 : vector<1x16xf32> to vector<16xf32>
    %sub3A_599 = arith.subf %get3A_598, %get3A_593 : vector<16xf32>
    %mul3A_600 = arith.mulf %sub3A_599, %convert_element_type3A_563 : vector<16xf32>
    %add3A_601 = arith.addf %get3A_593, %mul3A_600 : vector<16xf32>
    %get3A_602 = arith.constant 5 : i32
    %get3A_603 = arith.index_cast %get3A_602 : i32 to index
    %get3A_604 = arith.constant 16 : index
    %get3A_605 = tpu.vector_load %arg10[%get3A_603, %get3A_604] {strides = array<i32>} : memref<8x64xf32, #tpu.memory_space<vmem>>, vector<1x16xf32>,
    %get3A_606 = vector.shape_cast %get3A_605 : vector<1x16xf32> to vector<16xf32>
    %mul3A_607 = arith.mulf %add3A_601, %get3A_606 : vector<16xf32>
    %swap3A_608 = arith.constant 5 : i32
    %swap3A_609 = arith.index_cast %swap3A_608 : i32 to index
    %swap3A_610 = arith.constant 16 : index
    %swap3A_611 = tpu.vector_load %arg11[%swap3A_609, %swap3A_610] {strides = array<i32>} : memref<8x64xf32, #tpu.memory_space<vmem>>, vector<1x16xf32>,
    %swap3A_612 = vector.shape_cast %swap3A_611 : vector<1x16xf32> to vector<16xf32>
    %swap3A_613 = vector.shape_cast %mul3A_607 : vector<16xf32> to vector<1x16xf32>
    tpu.vector_store %arg11[%swap3A_609, %swap3A_610], %swap3A_613 {strides = array<i32>} : memref<8x64xf32, #tpu.memory_space<vmem>>, vector<1x16xf32>,
    %get3A_614 = arith.constant 5 : i32
    %get3A_615 = arith.index_cast %get3A_614 : i32 to index
    %get3A_616 = arith.constant 32 : index
    %get3A_617 = tpu.vector_load %arg9[%get3A_615, %get3A_616] {strides = array<i32>} : memref<16x128xf32, #tpu.memory_space<vmem>>, vector<1x16xf32>,
    %get3A_618 = vector.shape_cast %get3A_617 : vector<1x16xf32> to vector<16xf32>
    %get3A_619 = arith.constant 5 : i32
    %get3A_620 = arith.index_cast %get3A_619 : i32 to index
    %get3A_621 = arith.constant 96 : index
    %get3A_622 = tpu.vector_load %arg9[%get3A_620, %get3A_621] {strides = array<i32>} : memref<16x128xf32, #tpu.memory_space<vmem>>, vector<1x16xf32>,
    %get3A_623 = vector.shape_cast %get3A_622 : vector<1x16xf32> to vector<16xf32>
    %sub3A_624 = arith.subf %get3A_623, %get3A_618 : vector<16xf32>
    %mul3A_625 = arith.mulf %sub3A_624, %convert_element_type3A_563 : vector<16xf32>
    %add3A_626 = arith.addf %get3A_618, %mul3A_625 : vector<16xf32>
    %get3A_627 = arith.constant 5 : i32
    %get3A_628 = arith.index_cast %get3A_627 : i32 to index
    %get3A_629 = arith.constant 32 : index
    %get3A_630 = tpu.vector_load %arg10[%get3A_628, %get3A_629] {strides = array<i32>} : memref<8x64xf32, #tpu.memory_space<vmem>>, vector<1x16xf32>,
    %get3A_631 = vector.shape_cast %get3A_630 : vector<1x16xf32> to vector<16xf32>
    %mul3A_632 = arith.mulf %add3A_626, %get3A_631 : vector<16xf32>
    %swap3A_633 = arith.constant 5 : i32
    %swap3A_634 = arith.index_cast %swap3A_633 : i32 to index
    %swap3A_635 = arith.constant 32 : index
    %swap3A_636 = tpu.vector_load %arg11[%swap3A_634, %swap3A_635] {strides = array<i32>} : memref<8x64xf32, #tpu.memory_space<vmem>>, vector<1x16xf32>,
    %swap3A_637 = vector.shape_cast %swap3A_636 : vector<1x16xf32> to vector<16xf32>
    %swap3A_638 = vector.shape_cast %mul3A_632 : vector<16xf32> to vector<1x16xf32>
    tpu.vector_store %arg11[%swap3A_634, %swap3A_635], %swap3A_638 {strides = array<i32>} : memref<8x64xf32, #tpu.memory_space<vmem>>, vector<1x16xf32>,
    %get3A_639 = arith.constant 5 : i32
    %get3A_640 = arith.index_cast %get3A_639 : i32 to index
    %get3A_641 = arith.constant 48 : index
    %get3A_642 = tpu.vector_load %arg9[%get3A_640, %get3A_641] {strides = array<i32>} : memref<16x128xf32, #tpu.memory_space<vmem>>, vector<1x16xf32>,
    %get3A_643 = vector.shape_cast %get3A_642 : vector<1x16xf32> to vector<16xf32>
    %get3A_644 = arith.constant 5 : i32
    %get3A_645 = arith.index_cast %get3A_644 : i32 to index
    %get3A_646 = arith.constant 112 : index
    %get3A_647 = tpu.vector_load %arg9[%get3A_645, %get3A_646] {strides = array<i32>} : memref<16x128xf32, #tpu.memory_space<vmem>>, vector<1x16xf32>,
    %get3A_648 = vector.shape_cast %get3A_647 : vector<1x16xf32> to vector<16xf32>
    %sub3A_649 = arith.subf %get3A_648, %get3A_643 : vector<16xf32>
    %mul3A_650 = arith.mulf %sub3A_649, %convert_element_type3A_563 : vector<16xf32>
    %add3A_651 = arith.addf %get3A_643, %mul3A_650 : vector<16xf32>
    %get3A_652 = arith.constant 5 : i32
    %get3A_653 = arith.index_cast %get3A_652 : i32 to index
    %get3A_654 = arith.constant 48 : index
    %get3A_655 = tpu.vector_load %arg10[%get3A_653, %get3A_654] {strides = array<i32>} : memref<8x64xf32, #tpu.memory_space<vmem>>, vector<1x16xf32>,
    %get3A_656 = vector.shape_cast %get3A_655 : vector<1x16xf32> to vector<16xf32>
    %mul3A_657 = arith.mulf %add3A_651, %get3A_656 : vector<16xf32>
    %swap3A_658 = arith.constant 5 : i32
    %swap3A_659 = arith.index_cast %swap3A_658 : i32 to index
    %swap3A_660 = arith.constant 48 : index
    %swap3A_661 = tpu.vector_load %arg11[%swap3A_659, %swap3A_660] {strides = array<i32>} : memref<8x64xf32, #tpu.memory_space<vmem>>, vector<1x16xf32>,
    %swap3A_662 = vector.shape_cast %swap3A_661 : vector<1x16xf32> to vector<16xf32>
    %swap3A_663 = vector.shape_cast %mul3A_657 : vector<16xf32> to vector<1x16xf32>
    tpu.vector_store %arg11[%swap3A_659, %swap3A_660], %swap3A_663 {strides = array<i32>} : memref<8x64xf32, #tpu.memory_space<vmem>>, vector<1x16xf32>,
    %broadcast_in_dim3A_664 = arith.constant 6 : i32
    %broadcast_in_dim3A_665 = vector.broadcast %broadcast_in_dim3A_664 : i32 to vector<16x1xi32>
    %gather3A_666 = vector.shape_cast %broadcast_in_dim3A_665 : vector<16x1xi32> to vector<16xi32>
    %gather3A_667 = tpu.dynamic_gather %and3A_19[%gather3A_666] in [0] : vector<16xi32>, vector<16xi32> -> vector<16xi32>
    %convert_element_type3A_668 = arith.sitofp %gather3A_667 : vector<16xi32> to vector<16xf32>
    %get3A_669 = arith.constant 6 : i32
    %get3A_670 = arith.index_cast %get3A_669 : i32 to index
    %get3A_671 = arith.constant 0 : index
    %get3A_672 = tpu.vector_load %arg9[%get3A_670, %get3A_671] {strides = array<i32>} : memref<16x128xf32, #tpu.memory_space<vmem>>, vector<1x16xf32>,
    %get3A_673 = vector.shape_cast %get3A_672 : vector<1x16xf32> to vector<16xf32>
    %get3A_674 = arith.constant 6 : i32
    %get3A_675 = arith.index_cast %get3A_674 : i32 to index
    %get3A_676 = arith.constant 64 : index
    %get3A_677 = tpu.vector_load %arg9[%get3A_675, %get3A_676] {strides = array<i32>} : memref<16x128xf32, #tpu.memory_space<vmem>>, vector<1x16xf32>,
    %get3A_678 = vector.shape_cast %get3A_677 : vector<1x16xf32> to vector<16xf32>
    %sub3A_679 = arith.subf %get3A_678, %get3A_673 : vector<16xf32>
    %mul3A_680 = arith.mulf %sub3A_679, %convert_element_type3A_668 : vector<16xf32>
    %add3A_681 = arith.addf %get3A_673, %mul3A_680 : vector<16xf32>
    %get3A_682 = arith.constant 6 : i32
    %get3A_683 = arith.index_cast %get3A_682 : i32 to index
    %get3A_684 = arith.constant 0 : index
    %get3A_685 = tpu.vector_load %arg10[%get3A_683, %get3A_684] {strides = array<i32>} : memref<8x64xf32, #tpu.memory_space<vmem>>, vector<1x16xf32>,
    %get3A_686 = vector.shape_cast %get3A_685 : vector<1x16xf32> to vector<16xf32>
    %mul3A_687 = arith.mulf %add3A_681, %get3A_686 : vector<16xf32>
    %swap3A_688 = arith.constant 6 : i32
    %swap3A_689 = arith.index_cast %swap3A_688 : i32 to index
    %swap3A_690 = arith.constant 0 : index
    %swap3A_691 = tpu.vector_load %arg11[%swap3A_689, %swap3A_690] {strides = array<i32>} : memref<8x64xf32, #tpu.memory_space<vmem>>, vector<1x16xf32>,
    %swap3A_692 = vector.shape_cast %swap3A_691 : vector<1x16xf32> to vector<16xf32>
    %swap3A_693 = vector.shape_cast %mul3A_687 : vector<16xf32> to vector<1x16xf32>
    tpu.vector_store %arg11[%swap3A_689, %swap3A_690], %swap3A_693 {strides = array<i32>} : memref<8x64xf32, #tpu.memory_space<vmem>>, vector<1x16xf32>,
    %get3A_694 = arith.constant 6 : i32
    %get3A_695 = arith.index_cast %get3A_694 : i32 to index
    %get3A_696 = arith.constant 16 : index
    %get3A_697 = tpu.vector_load %arg9[%get3A_695, %get3A_696] {strides = array<i32>} : memref<16x128xf32, #tpu.memory_space<vmem>>, vector<1x16xf32>,
    %get3A_698 = vector.shape_cast %get3A_697 : vector<1x16xf32> to vector<16xf32>
    %get3A_699 = arith.constant 6 : i32
    %get3A_700 = arith.index_cast %get3A_699 : i32 to index
    %get3A_701 = arith.constant 80 : index
    %get3A_702 = tpu.vector_load %arg9[%get3A_700, %get3A_701] {strides = array<i32>} : memref<16x128xf32, #tpu.memory_space<vmem>>, vector<1x16xf32>,
    %get3A_703 = vector.shape_cast %get3A_702 : vector<1x16xf32> to vector<16xf32>
    %sub3A_704 = arith.subf %get3A_703, %get3A_698 : vector<16xf32>
    %mul3A_705 = arith.mulf %sub3A_704, %convert_element_type3A_668 : vector<16xf32>
    %add3A_706 = arith.addf %get3A_698, %mul3A_705 : vector<16xf32>
    %get3A_707 = arith.constant 6 : i32
    %get3A_708 = arith.index_cast %get3A_707 : i32 to index
    %get3A_709 = arith.constant 16 : index
    %get3A_710 = tpu.vector_load %arg10[%get3A_708, %get3A_709] {strides = array<i32>} : memref<8x64xf32, #tpu.memory_space<vmem>>, vector<1x16xf32>,
    %get3A_711 = vector.shape_cast %get3A_710 : vector<1x16xf32> to vector<16xf32>
    %mul3A_712 = arith.mulf %add3A_706, %get3A_711 : vector<16xf32>
    %swap3A_713 = arith.constant 6 : i32
    %swap3A_714 = arith.index_cast %swap3A_713 : i32 to index
    %swap3A_715 = arith.constant 16 : index
    %swap3A_716 = tpu.vector_load %arg11[%swap3A_714, %swap3A_715] {strides = array<i32>} : memref<8x64xf32, #tpu.memory_space<vmem>>, vector<1x16xf32>,
    %swap3A_717 = vector.shape_cast %swap3A_716 : vector<1x16xf32> to vector<16xf32>
    %swap3A_718 = vector.shape_cast %mul3A_712 : vector<16xf32> to vector<1x16xf32>
    tpu.vector_store %arg11[%swap3A_714, %swap3A_715], %swap3A_718 {strides = array<i32>} : memref<8x64xf32, #tpu.memory_space<vmem>>, vector<1x16xf32>,
    %get3A_719 = arith.constant 6 : i32
    %get3A_720 = arith.index_cast %get3A_719 : i32 to index
    %get3A_721 = arith.constant 32 : index
    %get3A_722 = tpu.vector_load %arg9[%get3A_720, %get3A_721] {strides = array<i32>} : memref<16x128xf32, #tpu.memory_space<vmem>>, vector<1x16xf32>,
    %get3A_723 = vector.shape_cast %get3A_722 : vector<1x16xf32> to vector<16xf32>
    %get3A_724 = arith.constant 6 : i32
    %get3A_725 = arith.index_cast %get3A_724 : i32 to index
    %get3A_726 = arith.constant 96 : index
    %get3A_727 = tpu.vector_load %arg9[%get3A_725, %get3A_726] {strides = array<i32>} : memref<16x128xf32, #tpu.memory_space<vmem>>, vector<1x16xf32>,
    %get3A_728 = vector.shape_cast %get3A_727 : vector<1x16xf32> to vector<16xf32>
    %sub3A_729 = arith.subf %get3A_728, %get3A_723 : vector<16xf32>
    %mul3A_730 = arith.mulf %sub3A_729, %convert_element_type3A_668 : vector<16xf32>
    %add3A_731 = arith.addf %get3A_723, %mul3A_730 : vector<16xf32>
    %get3A_732 = arith.constant 6 : i32
    %get3A_733 = arith.index_cast %get3A_732 : i32 to index
    %get3A_734 = arith.constant 32 : index
    %get3A_735 = tpu.vector_load %arg10[%get3A_733, %get3A_734] {strides = array<i32>} : memref<8x64xf32, #tpu.memory_space<vmem>>, vector<1x16xf32>,
    %get3A_736 = vector.shape_cast %get3A_735 : vector<1x16xf32> to vector<16xf32>
    %mul3A_737 = arith.mulf %add3A_731, %get3A_736 : vector<16xf32>
    %swap3A_738 = arith.constant 6 : i32
    %swap3A_739 = arith.index_cast %swap3A_738 : i32 to index
    %swap3A_740 = arith.constant 32 : index
    %swap3A_741 = tpu.vector_load %arg11[%swap3A_739, %swap3A_740] {strides = array<i32>} : memref<8x64xf32, #tpu.memory_space<vmem>>, vector<1x16xf32>,
    %swap3A_742 = vector.shape_cast %swap3A_741 : vector<1x16xf32> to vector<16xf32>
    %swap3A_743 = vector.shape_cast %mul3A_737 : vector<16xf32> to vector<1x16xf32>
    tpu.vector_store %arg11[%swap3A_739, %swap3A_740], %swap3A_743 {strides = array<i32>} : memref<8x64xf32, #tpu.memory_space<vmem>>, vector<1x16xf32>,
    %get3A_744 = arith.constant 6 : i32
    %get3A_745 = arith.index_cast %get3A_744 : i32 to index
    %get3A_746 = arith.constant 48 : index
    %get3A_747 = tpu.vector_load %arg9[%get3A_745, %get3A_746] {strides = array<i32>} : memref<16x128xf32, #tpu.memory_space<vmem>>, vector<1x16xf32>,
    %get3A_748 = vector.shape_cast %get3A_747 : vector<1x16xf32> to vector<16xf32>
    %get3A_749 = arith.constant 6 : i32
    %get3A_750 = arith.index_cast %get3A_749 : i32 to index
    %get3A_751 = arith.constant 112 : index
    %get3A_752 = tpu.vector_load %arg9[%get3A_750, %get3A_751] {strides = array<i32>} : memref<16x128xf32, #tpu.memory_space<vmem>>, vector<1x16xf32>,
    %get3A_753 = vector.shape_cast %get3A_752 : vector<1x16xf32> to vector<16xf32>
    %sub3A_754 = arith.subf %get3A_753, %get3A_748 : vector<16xf32>
    %mul3A_755 = arith.mulf %sub3A_754, %convert_element_type3A_668 : vector<16xf32>
    %add3A_756 = arith.addf %get3A_748, %mul3A_755 : vector<16xf32>
    %get3A_757 = arith.constant 6 : i32
    %get3A_758 = arith.index_cast %get3A_757 : i32 to index
    %get3A_759 = arith.constant 48 : index
    %get3A_760 = tpu.vector_load %arg10[%get3A_758, %get3A_759] {strides = array<i32>} : memref<8x64xf32, #tpu.memory_space<vmem>>, vector<1x16xf32>,
    %get3A_761 = vector.shape_cast %get3A_760 : vector<1x16xf32> to vector<16xf32>
    %mul3A_762 = arith.mulf %add3A_756, %get3A_761 : vector<16xf32>
    %swap3A_763 = arith.constant 6 : i32
    %swap3A_764 = arith.index_cast %swap3A_763 : i32 to index
    %swap3A_765 = arith.constant 48 : index
    %swap3A_766 = tpu.vector_load %arg11[%swap3A_764, %swap3A_765] {strides = array<i32>} : memref<8x64xf32, #tpu.memory_space<vmem>>, vector<1x16xf32>,
    %swap3A_767 = vector.shape_cast %swap3A_766 : vector<1x16xf32> to vector<16xf32>
    %swap3A_768 = vector.shape_cast %mul3A_762 : vector<16xf32> to vector<1x16xf32>
    tpu.vector_store %arg11[%swap3A_764, %swap3A_765], %swap3A_768 {strides = array<i32>} : memref<8x64xf32, #tpu.memory_space<vmem>>, vector<1x16xf32>,
    %broadcast_in_dim3A_769 = arith.constant 7 : i32
    %broadcast_in_dim3A_770 = vector.broadcast %broadcast_in_dim3A_769 : i32 to vector<16x1xi32>
    %gather3A_771 = vector.shape_cast %broadcast_in_dim3A_770 : vector<16x1xi32> to vector<16xi32>
    %gather3A_772 = tpu.dynamic_gather %and3A_19[%gather3A_771] in [0] : vector<16xi32>, vector<16xi32> -> vector<16xi32>
    %convert_element_type3A_773 = arith.sitofp %gather3A_772 : vector<16xi32> to vector<16xf32>
    %get3A_774 = arith.constant 7 : i32
    %get3A_775 = arith.index_cast %get3A_774 : i32 to index
    %get3A_776 = arith.constant 0 : index
    %get3A_777 = tpu.vector_load %arg9[%get3A_775, %get3A_776] {strides = array<i32>} : memref<16x128xf32, #tpu.memory_space<vmem>>, vector<1x16xf32>,
    %get3A_778 = vector.shape_cast %get3A_777 : vector<1x16xf32> to vector<16xf32>
    %get3A_779 = arith.constant 7 : i32
    %get3A_780 = arith.index_cast %get3A_779 : i32 to index
    %get3A_781 = arith.constant 64 : index
    %get3A_782 = tpu.vector_load %arg9[%get3A_780, %get3A_781] {strides = array<i32>} : memref<16x128xf32, #tpu.memory_space<vmem>>, vector<1x16xf32>,
    %get3A_783 = vector.shape_cast %get3A_782 : vector<1x16xf32> to vector<16xf32>
    %sub3A_784 = arith.subf %get3A_783, %get3A_778 : vector<16xf32>
    %mul3A_785 = arith.mulf %sub3A_784, %convert_element_type3A_773 : vector<16xf32>
    %add3A_786 = arith.addf %get3A_778, %mul3A_785 : vector<16xf32>
    %get3A_787 = arith.constant 7 : i32
    %get3A_788 = arith.index_cast %get3A_787 : i32 to index
    %get3A_789 = arith.constant 0 : index
    %get3A_790 = tpu.vector_load %arg10[%get3A_788, %get3A_789] {strides = array<i32>} : memref<8x64xf32, #tpu.memory_space<vmem>>, vector<1x16xf32>,
    %get3A_791 = vector.shape_cast %get3A_790 : vector<1x16xf32> to vector<16xf32>
    %mul3A_792 = arith.mulf %add3A_786, %get3A_791 : vector<16xf32>
    %swap3A_793 = arith.constant 7 : i32
    %swap3A_794 = arith.index_cast %swap3A_793 : i32 to index
    %swap3A_795 = arith.constant 0 : index
    %swap3A_796 = tpu.vector_load %arg11[%swap3A_794, %swap3A_795] {strides = array<i32>} : memref<8x64xf32, #tpu.memory_space<vmem>>, vector<1x16xf32>,
    %swap3A_797 = vector.shape_cast %swap3A_796 : vector<1x16xf32> to vector<16xf32>
    %swap3A_798 = vector.shape_cast %mul3A_792 : vector<16xf32> to vector<1x16xf32>
    tpu.vector_store %arg11[%swap3A_794, %swap3A_795], %swap3A_798 {strides = array<i32>} : memref<8x64xf32, #tpu.memory_space<vmem>>, vector<1x16xf32>,
    %get3A_799 = arith.constant 7 : i32
    %get3A_800 = arith.index_cast %get3A_799 : i32 to index
    %get3A_801 = arith.constant 16 : index
    %get3A_802 = tpu.vector_load %arg9[%get3A_800, %get3A_801] {strides = array<i32>} : memref<16x128xf32, #tpu.memory_space<vmem>>, vector<1x16xf32>,
    %get3A_803 = vector.shape_cast %get3A_802 : vector<1x16xf32> to vector<16xf32>
    %get3A_804 = arith.constant 7 : i32
    %get3A_805 = arith.index_cast %get3A_804 : i32 to index
    %get3A_806 = arith.constant 80 : index
    %get3A_807 = tpu.vector_load %arg9[%get3A_805, %get3A_806] {strides = array<i32>} : memref<16x128xf32, #tpu.memory_space<vmem>>, vector<1x16xf32>,
    %get3A_808 = vector.shape_cast %get3A_807 : vector<1x16xf32> to vector<16xf32>
    %sub3A_809 = arith.subf %get3A_808, %get3A_803 : vector<16xf32>
    %mul3A_810 = arith.mulf %sub3A_809, %convert_element_type3A_773 : vector<16xf32>
    %add3A_811 = arith.addf %get3A_803, %mul3A_810 : vector<16xf32>
    %get3A_812 = arith.constant 7 : i32
    %get3A_813 = arith.index_cast %get3A_812 : i32 to index
    %get3A_814 = arith.constant 16 : index
    %get3A_815 = tpu.vector_load %arg10[%get3A_813, %get3A_814] {strides = array<i32>} : memref<8x64xf32, #tpu.memory_space<vmem>>, vector<1x16xf32>,
    %get3A_816 = vector.shape_cast %get3A_815 : vector<1x16xf32> to vector<16xf32>
    %mul3A_817 = arith.mulf %add3A_811, %get3A_816 : vector<16xf32>
    %swap3A_818 = arith.constant 7 : i32
    %swap3A_819 = arith.index_cast %swap3A_818 : i32 to index
    %swap3A_820 = arith.constant 16 : index
    %swap3A_821 = tpu.vector_load %arg11[%swap3A_819, %swap3A_820] {strides = array<i32>} : memref<8x64xf32, #tpu.memory_space<vmem>>, vector<1x16xf32>,
    %swap3A_822 = vector.shape_cast %swap3A_821 : vector<1x16xf32> to vector<16xf32>
    %swap3A_823 = vector.shape_cast %mul3A_817 : vector<16xf32> to vector<1x16xf32>
    tpu.vector_store %arg11[%swap3A_819, %swap3A_820], %swap3A_823 {strides = array<i32>} : memref<8x64xf32, #tpu.memory_space<vmem>>, vector<1x16xf32>,
    %get3A_824 = arith.constant 7 : i32
    %get3A_825 = arith.index_cast %get3A_824 : i32 to index
    %get3A_826 = arith.constant 32 : index
    %get3A_827 = tpu.vector_load %arg9[%get3A_825, %get3A_826] {strides = array<i32>} : memref<16x128xf32, #tpu.memory_space<vmem>>, vector<1x16xf32>,
    %get3A_828 = vector.shape_cast %get3A_827 : vector<1x16xf32> to vector<16xf32>
    %get3A_829 = arith.constant 7 : i32
    %get3A_830 = arith.index_cast %get3A_829 : i32 to index
    %get3A_831 = arith.constant 96 : index
    %get3A_832 = tpu.vector_load %arg9[%get3A_830, %get3A_831] {strides = array<i32>} : memref<16x128xf32, #tpu.memory_space<vmem>>, vector<1x16xf32>,
    %get3A_833 = vector.shape_cast %get3A_832 : vector<1x16xf32> to vector<16xf32>
    %sub3A_834 = arith.subf %get3A_833, %get3A_828 : vector<16xf32>
    %mul3A_835 = arith.mulf %sub3A_834, %convert_element_type3A_773 : vector<16xf32>
    %add3A_836 = arith.addf %get3A_828, %mul3A_835 : vector<16xf32>
    %get3A_837 = arith.constant 7 : i32
    %get3A_838 = arith.index_cast %get3A_837 : i32 to index
    %get3A_839 = arith.constant 32 : index
    %get3A_840 = tpu.vector_load %arg10[%get3A_838, %get3A_839] {strides = array<i32>} : memref<8x64xf32, #tpu.memory_space<vmem>>, vector<1x16xf32>,
    %get3A_841 = vector.shape_cast %get3A_840 : vector<1x16xf32> to vector<16xf32>
    %mul3A_842 = arith.mulf %add3A_836, %get3A_841 : vector<16xf32>
    %swap3A_843 = arith.constant 7 : i32
    %swap3A_844 = arith.index_cast %swap3A_843 : i32 to index
    %swap3A_845 = arith.constant 32 : index
    %swap3A_846 = tpu.vector_load %arg11[%swap3A_844, %swap3A_845] {strides = array<i32>} : memref<8x64xf32, #tpu.memory_space<vmem>>, vector<1x16xf32>,
    %swap3A_847 = vector.shape_cast %swap3A_846 : vector<1x16xf32> to vector<16xf32>
    %swap3A_848 = vector.shape_cast %mul3A_842 : vector<16xf32> to vector<1x16xf32>
    tpu.vector_store %arg11[%swap3A_844, %swap3A_845], %swap3A_848 {strides = array<i32>} : memref<8x64xf32, #tpu.memory_space<vmem>>, vector<1x16xf32>,
    %get3A_849 = arith.constant 7 : i32
    %get3A_850 = arith.index_cast %get3A_849 : i32 to index
    %get3A_851 = arith.constant 48 : index
    %get3A_852 = tpu.vector_load %arg9[%get3A_850, %get3A_851] {strides = array<i32>} : memref<16x128xf32, #tpu.memory_space<vmem>>, vector<1x16xf32>,
    %get3A_853 = vector.shape_cast %get3A_852 : vector<1x16xf32> to vector<16xf32>
    %get3A_854 = arith.constant 7 : i32
    %get3A_855 = arith.index_cast %get3A_854 : i32 to index
    %get3A_856 = arith.constant 112 : index
    %get3A_857 = tpu.vector_load %arg9[%get3A_855, %get3A_856] {strides = array<i32>} : memref<16x128xf32, #tpu.memory_space<vmem>>, vector<1x16xf32>,
    %get3A_858 = vector.shape_cast %get3A_857 : vector<1x16xf32> to vector<16xf32>
    %sub3A_859 = arith.subf %get3A_858, %get3A_853 : vector<16xf32>
    %mul3A_860 = arith.mulf %sub3A_859, %convert_element_type3A_773 : vector<16xf32>
    %add3A_861 = arith.addf %get3A_853, %mul3A_860 : vector<16xf32>
    %get3A_862 = arith.constant 7 : i32
    %get3A_863 = arith.index_cast %get3A_862 : i32 to index
    %get3A_864 = arith.constant 48 : index
    %get3A_865 = tpu.vector_load %arg10[%get3A_863, %get3A_864] {strides = array<i32>} : memref<8x64xf32, #tpu.memory_space<vmem>>, vector<1x16xf32>,
    %get3A_866 = vector.shape_cast %get3A_865 : vector<1x16xf32> to vector<16xf32>
    %mul3A_867 = arith.mulf %add3A_861, %get3A_866 : vector<16xf32>
    %swap3A_868 = arith.constant 7 : i32
    %swap3A_869 = arith.index_cast %swap3A_868 : i32 to index
    %swap3A_870 = arith.constant 48 : index
    %swap3A_871 = tpu.vector_load %arg11[%swap3A_869, %swap3A_870] {strides = array<i32>} : memref<8x64xf32, #tpu.memory_space<vmem>>, vector<1x16xf32>,
    %swap3A_872 = vector.shape_cast %swap3A_871 : vector<1x16xf32> to vector<16xf32>
    %swap3A_873 = vector.shape_cast %mul3A_867 : vector<16xf32> to vector<1x16xf32>
    tpu.vector_store %arg11[%swap3A_869, %swap3A_870], %swap3A_873 {strides = array<i32>} : memref<8x64xf32, #tpu.memory_space<vmem>>, vector<1x16xf32>,
    "tpu.region"() ({
      %run_scoped3A = tpu.sem_alloc : memref<!tpu.dma_semaphore, #tpu.memory_space<semaphore_mem>>
      %dma_start3A_874 = arith.constant 0 : i32
      %dma_start3A_875 = tpu.memref_slice %arg6[%mul3A_2, %dma_start3A_874] : memref<256x64xf32, #tpu.memory_space<hbm>> -> memref<8x64xf32, #tpu.memory_space<hbm>>
      %dma_start3A_876 = arith.constant 0 : i32
      %dma_start3A_877 = tpu.memref_slice %arg6[%mul3A_2, %dma_start3A_876] : memref<256x64xf32, #tpu.memory_space<hbm>> -> memref<8x64xf32, #tpu.memory_space<hbm>>
      tpu.enqueue_dma source(%arg11 : memref<8x64xf32, #tpu.memory_space<vmem>>) target(%dma_start3A_877 : memref<8x64xf32, #tpu.memory_space<hbm>>) target_semaphore(%run_scoped3A : memref<!tpu.dma_semaphore, #tpu.memory_space<semaphore_mem>>)
      %dma_wait3A_878 = arith.constant 0 : i32
      %dma_wait3A_879 = tpu.memref_slice %arg6[%mul3A_2, %dma_wait3A_878] : memref<256x64xf32, #tpu.memory_space<hbm>> -> memref<8x64xf32, #tpu.memory_space<hbm>>
      %dma_wait3A_880 = arith.constant 0 : i32
      %dma_wait3A_881 = tpu.memref_slice %arg6[%mul3A_2, %dma_wait3A_880] : memref<256x64xf32, #tpu.memory_space<hbm>> -> memref<8x64xf32, #tpu.memory_space<hbm>>
      tpu.wait_dma2 semaphore(%run_scoped3A : memref<!tpu.dma_semaphore, #tpu.memory_space<semaphore_mem>>) src(%arg11 : memref<8x64xf32, #tpu.memory_space<vmem>>) dst(%dma_wait3A_881 : memref<8x64xf32, #tpu.memory_space<hbm>>)
      tpu.yield
    }) : () -> ()
    return
  }
}

module attributes {stable_mosaic.version = 14 : i64} {
  func.func @_dist_body(%arg0: i32, %arg1: memref<80x256xf32, #tpu.memory_space<vmem>>, %arg2: memref<256x1xf32, #tpu.memory_space<vmem>>, %arg3: memref<64x4096xf32, #tpu.memory_space<vmem>>, %arg4: memref<16x4096xf32, #tpu.memory_space<vmem>>, %arg5: memref<256x1xi32, #tpu.memory_space<vmem>>, %arg6: memref<256x1xf32, #tpu.memory_space<vmem>>, %arg7: memref<2048x128xf32, #tpu.memory_space<vmem>>, %arg8: memref<256x1xf32, #tpu.memory_space<vmem>>, %arg9: memref<256x1xi32, #tpu.memory_space<vmem>>) attributes {dimension_semantics = [#tpu.dimension_semantics<arbitrary>], iteration_bounds = array<i64: 25>, scalar_prefetch = 0 : i64, scratch_operands = 2 : i64, tpu.core_type = #tpu.core_type<tc>, window_params = [{pipeline_mode = #tpu.pipeline_mode<synchronous>, transform_indices = @transform_0, window_bounds = array<i64: 80, 256>}, {pipeline_mode = #tpu.pipeline_mode<synchronous>, transform_indices = @transform_1, window_bounds = array<i64: 256, 1>}, {transform_indices = @transform_2, window_bounds = array<i64: 64, 4096>}, {transform_indices = @transform_3, window_bounds = array<i64: 16, 4096>}, {pipeline_mode = #tpu.pipeline_mode<synchronous>, transform_indices = @transform_4, window_bounds = array<i64: 256, 1>}, {pipeline_mode = #tpu.pipeline_mode<synchronous>, transform_indices = @transform_5, window_bounds = array<i64: 256, 1>}, {transform_indices = @transform_6, window_bounds = array<i64: 2048, 128>}]} {
    %get3A = arith.constant 0 : index
    %get3A_0 = arith.constant 0 : index
    %get3A_1 = vector.load %arg3[%get3A, %get3A_0] : memref<64x4096xf32, #tpu.memory_space<vmem>>, vector<64x4096xf32>
    %transpose3A = tpu.transpose %get3A_1, [1, 0] : vector<64x4096xf32> -> vector<4096x64xf32>
    %slice3A = vector.extract_strided_slice %transpose3A {offsets = [0, 0], sizes = [2048, 64], strides = [1, 1]} : vector<4096x64xf32> to vector<2048x64xf32>
    %slice3A_2 = vector.extract_strided_slice %transpose3A {offsets = [2048, 0], sizes = [2048, 64], strides = [1, 1]} : vector<4096x64xf32> to vector<2048x64xf32>
    %concatenate3A = tpu.concatenate %slice3A, %slice3A_2 in 1 : vector<2048x64xf32>, vector<2048x64xf32> -> vector<2048x128xf32>
    %swap3A = arith.constant 0 : index
    %swap3A_3 = arith.constant 0 : index
    %swap3A_4 = vector.load %arg7[%swap3A, %swap3A_3] : memref<2048x128xf32, #tpu.memory_space<vmem>>, vector<2048x128xf32>
    tpu.vector_store %arg7[%swap3A, %swap3A_3], %concatenate3A {strides = array<i32>} : memref<2048x128xf32, #tpu.memory_space<vmem>>, vector<2048x128xf32>,
    %get3A_5 = arith.constant 0 : index
    %get3A_6 = arith.constant 0 : index
    %get3A_7 = vector.load %arg4[%get3A_5, %get3A_6] : memref<16x4096xf32, #tpu.memory_space<vmem>>, vector<16x4096xf32>
    %concatenate3A_8 = tpu.concatenate %get3A_1, %get3A_7 in 0 : vector<64x4096xf32>, vector<16x4096xf32> -> vector<80x4096xf32>
    %iota3A = tpu.iota {dimensions = array<i32: 1>} : vector<1x4096xi32>
    %mul3A = arith.constant 4096 : i32
    %mul3A_9 = arith.muli %arg0, %mul3A : i32
    %add3A = vector.broadcast %mul3A_9 : i32 to vector<1x4096xi32>
    %add3A_10 = arith.addi %iota3A, %add3A : vector<1x4096xi32>
    %lt3A = arith.constant 100000 : i32
    %lt3A_11 = vector.broadcast %lt3A : i32 to vector<1x4096xi32>
    %lt3A_12 = arith.cmpi slt, %add3A_10, %lt3A_11 : vector<1x4096xi32>
    %jit3A = arith.constant 0.000000e+00 : f32
    %broadcast_in_dim3A = vector.shape_cast %lt3A_12 : vector<1x4096xi1> to vector<1x4096xi1>
    %broadcast_in_dim3A_13 = vector.broadcast %broadcast_in_dim3A : vector<1x4096xi1> to vector<80x4096xi1>
    %broadcast_in_dim3A_14 = vector.broadcast %jit3A : f32 to vector<80x4096xf32>
    %select_n3A = arith.select %broadcast_in_dim3A_13, %concatenate3A_8, %broadcast_in_dim3A_14 : vector<80x4096xi1>, vector<80x4096xf32>
    %get3A_15 = arith.constant 0 : index
    %get3A_16 = arith.constant 0 : index
    %get3A_17 = vector.load %arg1[%get3A_15, %get3A_16] : memref<80x256xf32, #tpu.memory_space<vmem>>, vector<80x256xf32>
    %convert_element_type3A = arith.truncf %get3A_17 : vector<80x256xf32> to vector<80x256xbf16>
    %convert_element_type3A_18 = arith.truncf %select_n3A : vector<80x4096xf32> to vector<80x4096xbf16>
    %dot_general3A = arith.constant dense<0.000000e+00> : vector<256x4096xf32>
    %dot_general3A_19 = tpu.matmul %convert_element_type3A, %convert_element_type3A_18, %dot_general3A {dimension_numbers = #tpu.dot_dimension_numbers<[0], [0], [1], [1], [0, 1, 1, 1], [], []>, transpose_lhs_hint = false} : vector<80x256xbf16>, vector<80x4096xbf16>, vector<256x4096xf32> -> vector<256x4096xf32>
    %mul3A_20 = arith.mulf %select_n3A, %select_n3A : vector<80x4096xf32>
    %slice3A_21 = vector.extract_strided_slice %mul3A_20 {offsets = [0, 0], sizes = [8, 4096], strides = [1, 1]} : vector<80x4096xf32> to vector<8x4096xf32>
    %slice3A_22 = vector.extract_strided_slice %mul3A_20 {offsets = [8, 0], sizes = [8, 4096], strides = [1, 1]} : vector<80x4096xf32> to vector<8x4096xf32>
    %add3A_23 = arith.addf %slice3A_21, %slice3A_22 : vector<8x4096xf32>
    %slice3A_24 = vector.extract_strided_slice %mul3A_20 {offsets = [16, 0], sizes = [8, 4096], strides = [1, 1]} : vector<80x4096xf32> to vector<8x4096xf32>
    %add3A_25 = arith.addf %add3A_23, %slice3A_24 : vector<8x4096xf32>
    %slice3A_26 = vector.extract_strided_slice %mul3A_20 {offsets = [24, 0], sizes = [8, 4096], strides = [1, 1]} : vector<80x4096xf32> to vector<8x4096xf32>
    %add3A_27 = arith.addf %add3A_25, %slice3A_26 : vector<8x4096xf32>
    %slice3A_28 = vector.extract_strided_slice %mul3A_20 {offsets = [32, 0], sizes = [8, 4096], strides = [1, 1]} : vector<80x4096xf32> to vector<8x4096xf32>
    %add3A_29 = arith.addf %add3A_27, %slice3A_28 : vector<8x4096xf32>
    %slice3A_30 = vector.extract_strided_slice %mul3A_20 {offsets = [40, 0], sizes = [8, 4096], strides = [1, 1]} : vector<80x4096xf32> to vector<8x4096xf32>
    %add3A_31 = arith.addf %add3A_29, %slice3A_30 : vector<8x4096xf32>
    %slice3A_32 = vector.extract_strided_slice %mul3A_20 {offsets = [48, 0], sizes = [8, 4096], strides = [1, 1]} : vector<80x4096xf32> to vector<8x4096xf32>
    %add3A_33 = arith.addf %add3A_31, %slice3A_32 : vector<8x4096xf32>
    %slice3A_34 = vector.extract_strided_slice %mul3A_20 {offsets = [56, 0], sizes = [8, 4096], strides = [1, 1]} : vector<80x4096xf32> to vector<8x4096xf32>
    %add3A_35 = arith.addf %add3A_33, %slice3A_34 : vector<8x4096xf32>
    %slice3A_36 = vector.extract_strided_slice %mul3A_20 {offsets = [64, 0], sizes = [8, 4096], strides = [1, 1]} : vector<80x4096xf32> to vector<8x4096xf32>
    %add3A_37 = arith.addf %add3A_35, %slice3A_36 : vector<8x4096xf32>
    %slice3A_38 = vector.extract_strided_slice %mul3A_20 {offsets = [72, 0], sizes = [8, 4096], strides = [1, 1]} : vector<80x4096xf32> to vector<8x4096xf32>
    %add3A_39 = arith.addf %add3A_37, %slice3A_38 : vector<8x4096xf32>
    %slice3A_40 = vector.extract_strided_slice %add3A_39 {offsets = [0, 0], sizes = [4, 4096], strides = [1, 1]} : vector<8x4096xf32> to vector<4x4096xf32>
    %slice3A_41 = vector.extract_strided_slice %add3A_39 {offsets = [4, 0], sizes = [4, 4096], strides = [1, 1]} : vector<8x4096xf32> to vector<4x4096xf32>
    %add3A_42 = arith.addf %slice3A_40, %slice3A_41 : vector<4x4096xf32>
    %slice3A_43 = vector.extract_strided_slice %add3A_42 {offsets = [0, 0], sizes = [2, 4096], strides = [1, 1]} : vector<4x4096xf32> to vector<2x4096xf32>
    %slice3A_44 = vector.extract_strided_slice %add3A_42 {offsets = [2, 0], sizes = [2, 4096], strides = [1, 1]} : vector<4x4096xf32> to vector<2x4096xf32>
    %add3A_45 = arith.addf %slice3A_43, %slice3A_44 : vector<2x4096xf32>
    %slice3A_46 = vector.extract_strided_slice %add3A_45 {offsets = [0, 0], sizes = [1, 4096], strides = [1, 1]} : vector<2x4096xf32> to vector<1x4096xf32>
    %slice3A_47 = vector.extract_strided_slice %add3A_45 {offsets = [1, 0], sizes = [1, 4096], strides = [1, 1]} : vector<2x4096xf32> to vector<1x4096xf32>
    %add3A_48 = arith.addf %slice3A_46, %slice3A_47 : vector<1x4096xf32>
    %jit3A_49 = arith.constant 0x7F800000 : f32
    %broadcast_in_dim3A_50 = vector.broadcast %jit3A_49 : f32 to vector<1x4096xf32>
    %select_n3A_51 = arith.select %lt3A_12, %add3A_48, %broadcast_in_dim3A_50 : vector<1x4096xi1>, vector<1x4096xf32>
    %get3A_52 = arith.constant 0 : index
    %get3A_53 = arith.constant 0 : index
    %get3A_54 = vector.load %arg2[%get3A_52, %get3A_53] : memref<256x1xf32, #tpu.memory_space<vmem>>, vector<256x1xf32>
    %add3A_55 = vector.broadcast %select_n3A_51 : vector<1x4096xf32> to vector<256x4096xf32>
    %add3A_56 = vector.broadcast %get3A_54 : vector<256x1xf32> to vector<256x4096xf32>
    %add3A_57 = arith.addf %add3A_55, %add3A_56 : vector<256x4096xf32>
    %mul3A_58 = arith.constant 2.000000e+00 : f32
    %mul3A_59 = vector.broadcast %mul3A_58 : f32 to vector<256x4096xf32>
    %mul3A_60 = arith.mulf %mul3A_59, %dot_general3A_19 : vector<256x4096xf32>
    %sub3A = arith.subf %add3A_57, %mul3A_60 : vector<256x4096xf32>
    %reduce_min3A = arith.constant dense<0x7F800000> : vector<256xf32>
    %reduce_min3A_61 = vector.multi_reduction <minimumf>, %sub3A, %reduce_min3A [1] : vector<256x4096xf32> to vector<256xf32>
    %broadcast_in_dim3A_62 = vector.shape_cast %reduce_min3A_61 : vector<256xf32> to vector<256x1xf32>
    %eq3A = arith.constant 0 : i32
    %eq3A_63 = arith.cmpi eq, %arg0, %eq3A : i32
    %convert_element_type3A_64 = arith.extui %eq3A_63 : i1 to i32
    %cond3A = arith.constant 0 : i32
    %cond3A_65 = arith.cmpi ne, %convert_element_type3A_64, %cond3A : i32
    scf.if %cond3A_65 {
      %broadcast_in_dim3A_89 = arith.constant 0x7F800000 : f32
      %broadcast_in_dim3A_90 = vector.broadcast %broadcast_in_dim3A_89 : f32 to vector<256x1xf32>
      %swap3A_91 = arith.constant 0 : index
      %swap3A_92 = arith.constant 0 : index
      %swap3A_93 = vector.load %arg8[%swap3A_91, %swap3A_92] : memref<256x1xf32, #tpu.memory_space<vmem>>, vector<256x1xf32>
      tpu.vector_store %arg8[%swap3A_91, %swap3A_92], %broadcast_in_dim3A_90 {strides = array<i32>} : memref<256x1xf32, #tpu.memory_space<vmem>>, vector<256x1xf32>,
      %broadcast_in_dim3A_94 = arith.constant 0 : i32
      %broadcast_in_dim3A_95 = vector.broadcast %broadcast_in_dim3A_94 : i32 to vector<256x1xi32>
      %swap3A_96 = arith.constant 0 : index
      %swap3A_97 = arith.constant 0 : index
      %swap3A_98 = vector.load %arg9[%swap3A_96, %swap3A_97] : memref<256x1xi32, #tpu.memory_space<vmem>>, vector<256x1xi32>
      tpu.vector_store %arg9[%swap3A_96, %swap3A_97], %broadcast_in_dim3A_95 {strides = array<i32>} : memref<256x1xi32, #tpu.memory_space<vmem>>, vector<256x1xi32>,
    } else {
    }
    %get3A_66 = arith.constant 0 : index
    %get3A_67 = arith.constant 0 : index
    %get3A_68 = vector.load %arg8[%get3A_66, %get3A_67] : memref<256x1xf32, #tpu.memory_space<vmem>>, vector<256x1xf32>
    %lt3A_69 = arith.cmpf olt, %broadcast_in_dim3A_62, %get3A_68 : vector<256x1xf32>
    %reduce_or3A = arith.constant 1.000000e+00 : f32
    %reduce_or3A_70 = arith.constant 0.000000e+00 : f32
    %reduce_or3A_71 = vector.broadcast %reduce_or3A : f32 to vector<256x1xf32>
    %reduce_or3A_72 = vector.broadcast %reduce_or3A_70 : f32 to vector<256x1xf32>
    %reduce_or3A_73 = arith.select %lt3A_69, %reduce_or3A_71, %reduce_or3A_72 : vector<256x1xi1>, vector<256x1xf32>
    %reduce_or3A_74 = vector.shape_cast %reduce_or3A_73 : vector<256x1xf32> to vector<1x256x1xf32>
    %reduce_or3A_75 = arith.constant dense<0xFF800000> : vector<1xf32>
    %reduce_or3A_76 = vector.multi_reduction <maximumf>, %reduce_or3A_74, %reduce_or3A_75 [1, 2] : vector<1x256x1xf32> to vector<1xf32>
    %reduce_or3A_77 = vector.shape_cast %reduce_or3A_76 : vector<1xf32> to vector<1x1x1xf32>
    %reduce_or3A_78 = vector.extract %reduce_or3A_77[0, 0, 0] : f32 from vector<1x1x1xf32>
    %reduce_or3A_79 = arith.constant 0.000000e+00 : f32
    %reduce_or3A_80 = arith.cmpf ogt, %reduce_or3A_78, %reduce_or3A_79 : f32
    %convert_element_type3A_81 = arith.extui %reduce_or3A_80 : i1 to i32
    %cond3A_82 = arith.constant 0 : i32
    %cond3A_83 = arith.cmpi ne, %convert_element_type3A_81, %cond3A_82 : i32
    scf.if %cond3A_83 {
      %get3A_89 = arith.constant 0 : index
      %get3A_90 = arith.constant 0 : index
      %get3A_91 = vector.load %arg2[%get3A_89, %get3A_90] : memref<256x1xf32, #tpu.memory_space<vmem>>, vector<256x1xf32>
      %add3A_92 = vector.broadcast %select_n3A_51 : vector<1x4096xf32> to vector<256x4096xf32>
      %add3A_93 = vector.broadcast %get3A_91 : vector<256x1xf32> to vector<256x4096xf32>
      %add3A_94 = arith.addf %add3A_92, %add3A_93 : vector<256x4096xf32>
      %mul3A_95 = arith.constant 2.000000e+00 : f32
      %mul3A_96 = vector.broadcast %mul3A_95 : f32 to vector<256x4096xf32>
      %mul3A_97 = arith.mulf %mul3A_96, %dot_general3A_19 : vector<256x4096xf32>
      %sub3A_98 = arith.subf %add3A_94, %mul3A_97 : vector<256x4096xf32>
      %iota3A_99 = tpu.iota {dimensions = array<i32: 1>} : vector<256x4096xi32>
      %eq3A_100 = vector.broadcast %broadcast_in_dim3A_62 : vector<256x1xf32> to vector<256x4096xf32>
      %eq3A_101 = arith.cmpf oeq, %sub3A_98, %eq3A_100 : vector<256x4096xf32>
      %jit3A_102 = arith.constant 1073741824 : i32
      %broadcast_in_dim3A_103 = vector.broadcast %jit3A_102 : i32 to vector<256x4096xi32>
      %select_n3A_104 = arith.select %eq3A_101, %iota3A_99, %broadcast_in_dim3A_103 : vector<256x4096xi1>, vector<256x4096xi32>
      %reduce_min3A_105 = arith.constant dense<2147483647> : vector<256xi32>
      %reduce_min3A_106 = vector.multi_reduction <minsi>, %select_n3A_104, %reduce_min3A_105 [1] : vector<256x4096xi32> to vector<256xi32>
      %broadcast_in_dim3A_107 = vector.shape_cast %reduce_min3A_106 : vector<256xi32> to vector<256x1xi32>
      %mul3A_108 = arith.constant 4096 : i32
      %mul3A_109 = arith.muli %arg0, %mul3A_108 : i32
      %add3A_110 = vector.broadcast %mul3A_109 : i32 to vector<256x1xi32>
      %add3A_111 = arith.addi %broadcast_in_dim3A_107, %add3A_110 : vector<256x1xi32>
      %get3A_112 = arith.constant 0 : index
      %get3A_113 = arith.constant 0 : index
      %get3A_114 = vector.load %arg8[%get3A_112, %get3A_113] : memref<256x1xf32, #tpu.memory_space<vmem>>, vector<256x1xf32>
      %select_n3A_115 = arith.select %lt3A_69, %broadcast_in_dim3A_62, %get3A_114 : vector<256x1xi1>, vector<256x1xf32>
      %swap3A_116 = arith.constant 0 : index
      %swap3A_117 = arith.constant 0 : index
      %swap3A_118 = vector.load %arg8[%swap3A_116, %swap3A_117] : memref<256x1xf32, #tpu.memory_space<vmem>>, vector<256x1xf32>
      tpu.vector_store %arg8[%swap3A_116, %swap3A_117], %select_n3A_115 {strides = array<i32>} : memref<256x1xf32, #tpu.memory_space<vmem>>, vector<256x1xf32>,
      %get3A_119 = arith.constant 0 : index
      %get3A_120 = arith.constant 0 : index
      %get3A_121 = vector.load %arg9[%get3A_119, %get3A_120] : memref<256x1xi32, #tpu.memory_space<vmem>>, vector<256x1xi32>
      %select_n3A_122 = arith.select %lt3A_69, %add3A_111, %get3A_121 : vector<256x1xi1>, vector<256x1xi32>
      %swap3A_123 = arith.constant 0 : index
      %swap3A_124 = arith.constant 0 : index
      %swap3A_125 = vector.load %arg9[%swap3A_123, %swap3A_124] : memref<256x1xi32, #tpu.memory_space<vmem>>, vector<256x1xi32>
      tpu.vector_store %arg9[%swap3A_123, %swap3A_124], %select_n3A_122 {strides = array<i32>} : memref<256x1xi32, #tpu.memory_space<vmem>>, vector<256x1xi32>,
    } else {
    }
    %eq3A_84 = arith.constant 24 : i32
    %eq3A_85 = arith.cmpi eq, %arg0, %eq3A_84 : i32
    %convert_element_type3A_86 = arith.extui %eq3A_85 : i1 to i32
    %cond3A_87 = arith.constant 0 : i32
    %cond3A_88 = arith.cmpi ne, %convert_element_type3A_86, %cond3A_87 : i32
    scf.if %cond3A_88 {
      %get3A_89 = arith.constant 0 : index
      %get3A_90 = arith.constant 0 : index
      %get3A_91 = vector.load %arg9[%get3A_89, %get3A_90] : memref<256x1xi32, #tpu.memory_space<vmem>>, vector<256x1xi32>
      %swap3A_92 = arith.constant 0 : index
      %swap3A_93 = arith.constant 0 : index
      %swap3A_94 = vector.load %arg5[%swap3A_92, %swap3A_93] : memref<256x1xi32, #tpu.memory_space<vmem>>, vector<256x1xi32>
      tpu.vector_store %arg5[%swap3A_92, %swap3A_93], %get3A_91 {strides = array<i32>} : memref<256x1xi32, #tpu.memory_space<vmem>>, vector<256x1xi32>,
      %get3A_95 = arith.constant 0 : index
      %get3A_96 = arith.constant 0 : index
      %get3A_97 = vector.load %arg8[%get3A_95, %get3A_96] : memref<256x1xf32, #tpu.memory_space<vmem>>, vector<256x1xf32>
      %le3A = arith.constant 0.00999999977 : f32
      %le3A_98 = vector.broadcast %le3A : f32 to vector<256x1xf32>
      %le3A_99 = arith.cmpf ole, %get3A_97, %le3A_98 : vector<256x1xf32>
      %convert_element_type3A_100 = arith.extui %le3A_99 : vector<256x1xi1> to vector<256x1xi32>
      %convert_element_type3A_101 = arith.sitofp %convert_element_type3A_100 : vector<256x1xi32> to vector<256x1xf32>
      %swap3A_102 = arith.constant 0 : index
      %swap3A_103 = arith.constant 0 : index
      %swap3A_104 = vector.load %arg6[%swap3A_102, %swap3A_103] : memref<256x1xf32, #tpu.memory_space<vmem>>, vector<256x1xf32>
      tpu.vector_store %arg6[%swap3A_102, %swap3A_103], %convert_element_type3A_101 {strides = array<i32>} : memref<256x1xf32, #tpu.memory_space<vmem>>, vector<256x1xf32>,
    } else {
    }
    return
  }
  func.func @transform_0(%arg0: i32) -> (i32, i32) {
    %c0_i32 = arith.constant 0 : i32
    %c0_i32_0 = arith.constant 0 : i32
    %c0_i32_1 = arith.constant 0 : i32
    return %c0_i32, %c0_i32_0 : i32, i32
  }
  func.func @transform_1(%arg0: i32) -> (i32, i32) {
    %c0_i32 = arith.constant 0 : i32
    %c0_i32_0 = arith.constant 0 : i32
    %c0_i32_1 = arith.constant 0 : i32
    return %c0_i32, %c0_i32_0 : i32, i32
  }
  func.func @transform_2(%arg0: i32) -> (i32, i32) {
    %c0_i32 = arith.constant 0 : i32
    %c0_i32_0 = arith.constant 0 : i32
    return %c0_i32, %arg0 : i32, i32
  }
  func.func @transform_3(%arg0: i32) -> (i32, i32) {
    %c0_i32 = arith.constant 0 : i32
    %c0_i32_0 = arith.constant 0 : i32
    return %c0_i32, %arg0 : i32, i32
  }
  func.func @transform_4(%arg0: i32) -> (i32, i32) {
    %c0_i32 = arith.constant 0 : i32
    %c0_i32_0 = arith.constant 0 : i32
    %c0_i32_1 = arith.constant 0 : i32
    return %c0_i32, %c0_i32_0 : i32, i32
  }
  func.func @transform_5(%arg0: i32) -> (i32, i32) {
    %c0_i32 = arith.constant 0 : i32
    %c0_i32_0 = arith.constant 0 : i32
    %c0_i32_1 = arith.constant 0 : i32
    return %c0_i32, %c0_i32_0 : i32, i32
  }
  func.func @transform_6(%arg0: i32) -> (i32, i32) {
    %c0_i32 = arith.constant 0 : i32
    %c0_i32_0 = arith.constant 0 : i32
    return %arg0, %c0_i32 : i32, i32
  }
}

</mosaic_0001>

<sc_bundles>
// kernel: kernel.4.cloned.1.call-start
scs
__scs_entry_jumppad:
0x0: {  	(pc) =	sbr.rel $0x88, $3  }
0x1: {  	(tag) =	ssettag $0x0;
	lr =	simm.s32 $0x1  }
0x2: {  	[smem:$0x3F9C] =	sst lr;
	_ =	strace $0xD0000000  }
0x3: {  	_ = 	snop  }
0x4: {  	_ = 	snop  }
0x5: {  	_ = 	snop  }
0x6: {  	_ = 	snop  }
0x7: {  	_ = 	snop  }
__scs_overlays_trampoline_lowered:
0x8: {  	[smem:$0x3FAB] =	sst s0  }
0x9: {  	[smem:$0x3FAC] =	sst s1  }
0xa: {  	[smem:$0x3FAD] =	sst s2  }
0xb: {  	[smem:$0x3FAE] =	sst s3  }
0xc: {  	[smem:$0x3FAF] =	sst s4  }
0xd: {  	[smem:$0x3FB0] =	sst s5  }
0xe: {  	[smem:$0x3FB1] =	sst s6  }
0xf: {  	[smem:$0x3FB2] =	sst s7  }
0x10: {  	[smem:$0x3FB3] =	sst s8  }
0x11: {  	[smem:$0x3FB4] =	sst s9;
	s0 =	simm.s32 @!p0 $0x0  }
0x12: {  	s1 =	sld [smem:$0x3F9A];
	s0 =	simm.s32 @p0 $0x1  }
0x13: {  	[smem:$0x3FB5] =	sst s0;
	s0 =	simm.s32 @!p1 $0x0  }
0x14: {  	s2 =	sld [smem:$0x3F99];
	s0 =	simm.s32 @p1 $0x1  }
0x15: {  	[smem:$0x3FB6] =	sst s0;
	s0 =	simm.s32 @!p2 $0x0  }
0x16: {  	s3 =	sld [smem:$0x3FDB];
	s0 =	simm.s32 @p2 $0x1  }
0x17: {  	s4 =	simm.s32 $0x1BF5;
	[smem:$0x3FB8] =	sst s0  }
0x18: {  	s0 =	sld [smem:$0x3F9B];
	_ =	swait.ge [sflag:s4], $0x0  }
0x19: {  	s7 =	sld [smem:$0x3F9C]  }
0x1a: {  	s8 =	sadd.s32 $0xFFFFE003, lr  }
0x1b: {  	s9 =	sadd.s32 $0xFFFFFEF7, lr;
	s5 =	simm.s32 $0xFFFFFFFF;
	p2 =	slt.u32 s8, $0xFFFFF086  }
0x1c: {  	p1 =	slt.u32 s9, $0xF7A;
	s5 =	simm.s32 @!p2 $0x0  }
0x1d: {  	s5 =	simm.s32 @p1 $0x1;
	p0 =	seq.s32 s7, s2  }
0x1e: {  	s7 =	smul.u32 @!p0 $0xF7A, s2;
	p2 =	seq.s32 @!p0 s5, $0x0  }
0x1f: {  	s9 =	smul.u32 $0xF7A, s1;
	s8 =	simm.s32 @!p0 $0x1BF5;
	p2 =	por !p2, p0  }
0x20: {  	[sflag:s8] =	ssyncset.s32 @!p0 $0xFFFFF086;
	s6 =	sadd.s32 @!p0 s3, s7;
	s7 =	simm.s32 @!p0 $0x108  }
0x21: {  	s3 =	sadd.s32 s3, s9;
	s6 =	sadd.s32 @!p0 $0x88, s6;
	s7 =	simm.s32 @p2 $0x1082  }
0x22: {  	[simem:s7], [sflag:s8] =	dma.local @!p0 [hbm:s6], $0xF7A  }
0x23: {  	s9 =	sor.u32 $0xD0000000, s2;
	s6 =	simm.s32 $0x108;
	_ =	swait.ge @!p0 [sflag:s8], $0x0  }
0x24: {  	s3 =	sadd.s32 $0x88, s3;
	s6 =	simm.s32 @!p1 $0x1082;
	[sflag:s4] =	ssyncset.s32 $0xFFFFF086  }
0x25: {  	[simem:s6], [sflag:s4] =	dma.local [hbm:s3], $0xF7A  }
0x26: {  	[smem:$0x3F9C] =	sst s1;
	(tag) =	ssettag s2;
	_ =	strace s9  }
0x27: {  	s1 =	sld [smem:$0x3FAC]  }
0x28: {  	s2 =	sld [smem:$0x3FAD]  }
0x29: {  	s4 =	sld [smem:$0x3FAF]  }
0x2a: {  	p0 =	seq.s32 s5, $0x0;
	s5 =	sld [smem:$0x3FB0]  }
0x2b: {  	s6 =	sld [smem:$0x3FB1]  }
0x2c: {  	s7 =	sld [smem:$0x3FB2]  }
0x2d: {  	s3 =	simm.s32 $0x108;
	s8 =	sld [smem:$0x3FB3]  }
0x2e: {  	s3 =	simm.s32 @!p0 $0x1082;
	s9 =	sld [smem:$0x3FB4]  }
0x2f: {  	lr =	sadd.s32 s0, s3;
	s0 =	sld [smem:$0x3FAB]  }
0x30: {  	s3 =	sld [smem:$0x3FAE]  }
0x31: {  	[smem:$0x3FB7] =	sst s10  }
0x32: {  	s10 =	sld [smem:$0x3FB5];
	_ =	sdelay $0x3  }
0x33: {  	p0 =	seq.s32 s10, $0x1;
	s10 =	sld [smem:$0x3FB7];
	_ =	sdelay $0x3  }
0x34: {  	[smem:$0x3FB7] =	sst s10  }
0x35: {  	s10 =	sld [smem:$0x3FB6];
	_ =	sdelay $0x3  }
0x36: {  	p1 =	seq.s32 s10, $0x1;
	s10 =	sld [smem:$0x3FB7];
	_ =	sdelay $0x3  }
0x37: {  	[smem:$0x3FB7] =	sst s10  }
0x38: {  	s10 =	sld [smem:$0x3FB8]  }
0x39: {  	_ = 	snop;
	(pc) =	sbr.ind lr, $3  }
0x3a: {  	_ = 	snop  }
0x3b: {  	_ = 	snop  }
0x3c: {  	p2 =	seq.s32 s10, $0x1;
	s10 =	sld [smem:$0x3FB7]  }
0x3d: {  	_ =	shalt  }
0x3e: {  	_ =	shalt  }
0x3f: {  	_ =	shalt  }
0x40: {  	_ =	shalt  }
0x41: {  	_ =	shalt  }
0x42: {  	_ =	shalt  }
0x43: {  	_ =	shalt  }
0x44: {  	_ =	shalt  }
0x45: {  	_ =	shalt  }
0x46: {  	_ =	shalt  }
0x47: {  	_ =	shalt  }
0x48: {  	_ =	shalt  }
0x49: {  	_ =	shalt  }
0x4a: {  	_ =	shalt  }
0x4b: {  	_ =	shalt  }
0x4c: {  	_ =	shalt  }
0x4d: {  	_ =	shalt  }
0x4e: {  	_ =	shalt  }
0x4f: {  	_ =	shalt  }
0x50: {  	_ =	shalt  }
0x51: {  	_ =	shalt  }
0x52: {  	_ =	shalt  }
0x53: {  	_ =	shalt  }
0x54: {  	_ =	shalt  }
0x55: {  	_ =	shalt  }
0x56: {  	_ =	shalt  }
0x57: {  	_ =	shalt  }
0x58: {  	_ =	shalt  }
0x59: {  	_ =	shalt  }
0x5a: {  	_ =	shalt  }
0x5b: {  	_ =	shalt  }
0x5c: {  	_ =	shalt  }
0x5d: {  	_ =	shalt  }
0x5e: {  	_ =	shalt  }
0x5f: {  	_ =	shalt  }
0x60: {  	_ =	shalt  }
0x61: {  	_ =	shalt  }
0x62: {  	_ =	shalt  }
0x63: {  	_ =	shalt  }
0x64: {  	_ =	shalt  }
0x65: {  	_ =	shalt  }
0x66: {  	_ =	shalt  }
0x67: {  	_ =	shalt  }
0x68: {  	_ =	shalt  }
0x69: {  	_ =	shalt  }
0x6a: {  	_ =	shalt  }
0x6b: {  	_ =	shalt  }
0x6c: {  	_ =	shalt  }
0x6d: {  	_ =	shalt  }
0x6e: {  	_ =	shalt  }
0x6f: {  	_ =	shalt  }
0x70: {  	_ =	shalt  }
0x71: {  	_ =	shalt  }
0x72: {  	_ =	shalt  }
0x73: {  	_ =	shalt  }
0x74: {  	_ =	shalt  }
0x75: {  	_ =	shalt  }
0x76: {  	_ =	shalt  }
0x77: {  	_ =	shalt  }
0x78: {  	_ =	shalt  }
0x79: {  	_ =	shalt  }
0x7a: {  	_ =	shalt  }
0x7b: {  	_ =	shalt  }
0x7c: {  	_ =	shalt  }
0x7d: {  	_ =	shalt  }
0x7e: {  	_ =	shalt  }
0x7f: {  	_ =	shalt  }
0x80: {  	_ =	shalt  }
0x81: {  	_ =	shalt  }
0x82: {  	_ =	shalt  }
0x83: {  	_ =	shalt  }
0x84: {  	_ =	shalt  }
0x85: {  	_ =	shalt  }
0x86: {  	_ =	shalt  }
0x87: {  	_ =	shalt  }
.Lfunc_end0:
.L_simem_size_0:
called_computation_lowered:
.L_overlay_start_0:
0x88: {  	s2 =	sld [smem:$0x3FD9]  }
0x89: {  	s3 =	sld [smem:$0x3FFE];
	_ =	sdelay $0x1  }
0x8a: {  	s1 =	srdreg.scid  }
0x8b: {  	s0 =	sand.u32 $0x1, s1  }
0x8c: {  	s17 =	sshll.u32 s0, $0xA;
	s2 =	sadd.s32 s3, s2  }
0x8d: {  	s2 =	sadd.s32 s2, s17  }
0x8e: {  	[smem:$0x3FC3] =	sst s2  }
0x8f: {  	_ = 	snop  }
0x90: {  	s2 =	sld [smem:$0x3FC5]  }
0x91: {  	s18 =	sld [smem:$0x3FD0];
	(tm) =	ssettm $0x1  }
0x92: {  	s4 =	sld [smem:$0x3FFB];
	_ =	sdelay $0x3  }
0x93: {  	_ =	strace s4  }
0x94: {  	s4 =	sld [smem:$0x3FFC];
	_ =	sdelay $0x3  }
0x95: {  	_ =	strace s4  }
0x96: {  	s4 =	sld [smem:$0x3FFD];
	_ =	sdelay $0x3  }
0x97: {  	_ =	strace s4  }
0x98: {  	_ =	strace $0x8FFFFFFF  }
0x99: {  	s19 =	sld [smem:$0x3FDB];
	_ =	sdelay $0x1  }
0x9a: {  	s5 =	simm.s32 $_scs_section_size  }
0x9b: {  	s6 =	simm.s32 $_size__tile_overlayer_lowered;
	s7 =	simm.s32 $_tile_overlayer_lowered  }
0x9c: {  	s22 =	simm.s32 $0x1BFF;
	s21 =	sshll.u32 s7, $0x1;
	s4 =	sadd.s32 s5, s19  }
0x9d: {  	s8 =	simm.s32 $0x0;
	s20 =	sshll.u32 s6, $0x1;
	s6 =	sadd.s32 s21, s4  }
0x9e: {  	[timem:s8], [sflag:s22] =	dma.local [hbm:s6], s20  }
0x9f: {  	_ =	swait.ge [sflag:s22], s20  }
0xa0: {  	s5 =	ssub.s32 $0x0, s20;
	[sflag:s22] =	ssyncset.done $0x0  }
0xa1: {  	[sflag:s22] =	ssyncadd.s32 s5;
	_ =	sdelay $0x1  }
0xa2: {  	s23 =	simm.s32 $0x1B8B  }
0xa3: {  	_ =	swait.ge [sflag:s23], $0x1  }
0xa4: {  	[sflag:s23] =	ssyncset.done $0x0  }
0xa5: {  	s25 =	simm.s32 $0x1B8E;
	s24 =	sld [smem:$0x3FFE];
	[sflag:s23] =	ssyncadd.s32 $0xFFFFFFFF  }
0xa6: {  	s26 =	simm.s32 $execute0_lowered;
	[smem:$0x3FD2] =	sst s25  }
0xa7: {  	s6 =	sshll.u32 s26, $0x1;
	_ =	strace $0x80000046;
	[dreg:$0x1] =	wrdreg $0xFFFFFFFF  }
0xa8: {  	s28 =	simm.s32 $_size_execute0_lowered;
	s4 =	sadd.s32 s4, s6;
	[dreg:$0x0] =	wrdreg $0x0  }
0xa9: {  	s6 =	sshll.u32 s28, $0x1;
	[dreg:$0x2] =	wrdreg s4  }
0xaa: {  	[dreg:$0x3] =	wrdreg s6  }
0xab: {  	[dreg:$0x4] =	wrdreg $0xC0  }
0xac: {  	_ =	task [dreg:s8], $0x5FFFF  }
0xad: {  	[dreg:$0x1] =	wrdreg $0xFFFFFFFF  }
0xae: {  	[dreg:$0x0] =	wrdreg $0x60  }
0xaf: {  	[dreg:$0x2] =	wrdreg s18  }
0xb0: {  	[dreg:$0x3] =	wrdreg s24  }
0xb1: {  	[dreg:$0x4] =	wrdreg s2  }
0xb2: {  	[dreg:$0x5] =	wrdreg $0x9  }
0xb3: {  	_ =	task.clear_ibuf [dreg:s8], $0x6FFFF;
	_ =	strace $0x90000046  }
0xb4: {  	s29 =	simm.s32 $0x9;
	_ =	strace $0x80000048  }
0xb5: {  	_ =	swait.ge [sflag:s29], $0x1  }
0xb6: {  	[sflag:s29] =	ssyncadd.s32 $0xFFFFFFFF  }
0xb7: {  	_ =	strace $0x90000048  }
0xb8: {  	_ =	sfence  }
0xb9: {  	s30 =	sld [smem:$0x0];
	_ =	sdelay $0x2  }
0xba: {  	s31 =	sshll.u32 s1, $0xD;
	s1 =	sshrl.u32 s1, $0x2  }
0xbb: {  	s3 =	sand.u32 $0x4000, s31;
	s1 =	sadd.s32 s1, s30  }
0xbc: {  	s0 =	sor.u32 s3, s0;
	s1 =	sshll.u32 s1, $0x11  }
0xbd: {  	s0 =	sor.u32 s1, s0  }
0xbe: {  	s0 =	sadd.s32 $0x8F2B, s0  }
0xbf: {  	[sflag:s0] =	ssyncadd.remote.s32 $0x1  }
0xc0: {  	_ =	sfence.sel $0xFFFF  }
0xc1: {  	[dreg:$0x0] =	wrdreg $0xFFFFFFFF;
	(pc) =	sbr.abs _section_cstart, $3  }
0xc2: {  	[dreg:$0x1] =	wrdreg $0xFFFFFFFF  }
0xc3: {  	_ =	task.clear_ibuf [dreg:s8], $0x2FFFF;
	_ =	strace $0x9FFFFFFF  }
0xc4: {  	(tm) =	ssettm $0x7FFFFFFF  }
0xc5: {  	_ =	shalt  }
tec
execute0_lowered:
.L_overlay_start_1:
0x0: {  	(tag) =	ssettag $0x1  }
0x1: {  	s5 =	rddreg [dreg:$0x0]  }
0x2: {  	s2 =	rddreg [dreg:$0x1]  }
0x3: {  	s3 =	rddreg [dreg:$0x2];
	s4 =	srdreg.scid  }
0x4: {  	s0 =	rddreg [dreg:$0x3];
	s1 =	stileid.u32  }
0x5: {  	s10 =	simm.s32 $0x900;
	s11 =	simm.s32 $0x10;
	s12 =	simm.s32 $0x80  }
0x6: {  	s13 =	simm.s32 $0x1;
	s14 =	simm.s32 $0x100;
	s6 =	sand.u32 $0x1, s4  }
0x7: {  	s4 =	simm.s32 $0x0;
	s7 =	sshll.u32 s1, $0x4;
	s8 =	sshll.u32 s6, $0x3  }
0x8: {  	s15 =	simm.s32 $0xD00;
	[smem:$0x7FF] =	sst s4;
	s7 =	sor.u32 s8, s7  }
0x9: {  	s6 =	ssub.s32 $0x2, s6;
	_ =	strace $0x80000047;
	s8 =	sshll.u32 s7, $0x4  }
0xa: {  	v0 =	vimm.s32 $0x0;
	v1 =	vimm.s32 $0x1;
	s9 =	sshrl.u32 s6, $0x1;
	s7 =	sshrl.u32 s7, $0x3;
	s8 =	sadd.s32 s8, s2  }
0xb: {  	v2 =	vimm.s32 $0x2;
	v3 =	vimm.s32 $0x3;
	v4 =	vimm.s32 $0x4;
	s9 =	ssub.s32 s6, s9;
	s5 =	sadd.s32 s5, s7;
	s6 =	sadd.s32 $0xC8000, s8  }
0xc: {  	v5 =	vimm.s32 $0x5;
	v6 =	vimm.s32 $0x6;
	v7 =	vimm.s32 $0x7;
	s7 =	sadd.s32 $0xC9000, s8;
	s8 =	smax.u32 s9, $0x1;
	s9 =	simm.s32 $0x2  }
.LBB2_1:
0xd: {  	[tilespmem:s4], [sflag:$0x2] =	stream.linear.gather [hbm4b:s5+s4], $0x8, $0x38;
	[tilespmem:$0x1100] =	vst v63  }
0xe: {  	_ =	swait.ge [sflag:s9], $0x8  }
0xf: {  	[sflag:s9] =	ssyncset.done $0x0  }
0x10: {  	[sflag:s9] =	ssyncadd.s32 $0xFFFFFFF8  }
0x11: {  	[tilespmem:s10], [sflag:$0x2] =	stream.linear.gather [hbm4b:s6+s4], $0x400, $0x38;
	[tilespmem:$0x1100] =	vst v63  }
0x12: {  	_ =	swait.ge [sflag:s9], $0x400  }
0x13: {  	[sflag:s9] =	ssyncset.done $0x0  }
0x14: {  	[sflag:s9] =	ssyncadd.s32 $0xFFFFFC00  }
0x15: {  	v8 =	vld [tilespmem:$0x0];
	_ =	sdelay $0x4  }
0x16: {  	vm0 =	vgt.s32 v8, $0x0  }
0x17: {  	v8 =	vnsel vm0, $0x0, v8  }
0x18: {  	v8 =	vmin.u32 v8, $0x1869F  }
0x19: {  	[tilespmem:$0x0] =	vst v8  }
0x1a: {  	[tilespmem:s12], [sflag:$0x1] =	stream.indirect.gather [hbm4b:s3+s11], $0x1, s4, s11, $0xb8;
	[tilespmem:$0x1100] =	vst v63  }
0x1b: {  	_ =	swait.ge [sflag:s13], $0x10  }
0x1c: {  	[sflag:s13] =	ssyncset.done $0x0  }
0x1d: {  	[sflag:s13] =	ssyncadd.s32 $0xFFFFFFF0  }
0x1e: {  	v8 =	vld [tilespmem:$0x80];
	_ =	sdelay $0x4  }
0x1f: {  	v9 =	vshra.s32 v8, $0x1  }
0x20: {  	v10 =	vand.u32 $0x7FF, v8;
	v9 =	vand.u32 $0xFFFFF800, v9  }
0x21: {  	v9 =	vor.u32 v10, v9  }
0x22: {  	[tilespmem:$0x80] =	vst v9  }
0x23: {  	[tilespmem:s14], [sflag:$0x1] =	stream.indirect.gather [hbm4b:s2+s11], $0x80, s12, s11, $0xb8;
	[tilespmem:$0x1100] =	vst v63  }
0x24: {  	_ =	swait.ge [sflag:s13], $0x800  }
0x25: {  	[sflag:s13] =	ssyncset.done $0x0  }
0x26: {  	[sflag:s13] =	ssyncadd.s32 $0xFFFFF800  }
0x27: {  	v9 =	vld [tilespmem:$0x100]  }
0x28: {  	v62 =	vld [tilespmem:$0x140]  }
0x29: {  	v11 =	vld [tilespmem:$0x900]  }
0x2a: {  	v12 =	vld [tilespmem:$0x110]  }
0x2b: {  	v13 =	vld [tilespmem:$0x150]  }
0x2c: {  	v14 =	vld [tilespmem:$0x910]  }
0x2d: {  	v15 =	vld [tilespmem:$0x120]  }
0x2e: {  	v16 =	vld [tilespmem:$0x160]  }
0x2f: {  	v17 =	vld [tilespmem:$0x920]  }
0x30: {  	v18 =	vld [tilespmem:$0x130]  }
0x31: {  	v19 =	vld [tilespmem:$0x170]  }
0x32: {  	v20 =	vld [tilespmem:$0x930]  }
0x33: {  	v21 =	vld [tilespmem:$0x180]  }
0x34: {  	v22 =	vld [tilespmem:$0x1C0]  }
0x35: {  	v23 =	vld [tilespmem:$0x980]  }
0x36: {  	v24 =	vld [tilespmem:$0x190]  }
0x37: {  	v25 =	vld [tilespmem:$0x1D0]  }
0x38: {  	v26 =	vld [tilespmem:$0x990]  }
0x39: {  	v27 =	vld [tilespmem:$0x1A0]  }
0x3a: {  	v28 =	vld [tilespmem:$0x1E0]  }
0x3b: {  	v29 =	vld [tilespmem:$0x9A0]  }
0x3c: {  	v30 =	vld [tilespmem:$0x1B0]  }
0x3d: {  	v31 =	vld [tilespmem:$0x1F0]  }
0x3e: {  	v32 =	vld [tilespmem:$0x9B0]  }
0x3f: {  	v33 =	vld [tilespmem:$0x200]  }
0x40: {  	v34 =	vld [tilespmem:$0x240]  }
0x41: {  	v35 =	vld [tilespmem:$0xA00]  }
0x42: {  	v36 =	vld [tilespmem:$0x210]  }
0x43: {  	v37 =	vld [tilespmem:$0x250]  }
0x44: {  	v38 =	vld [tilespmem:$0xA10]  }
0x45: {  	v39 =	vld [tilespmem:$0x220]  }
0x46: {  	v40 =	vld [tilespmem:$0x260]  }
0x47: {  	v41 =	vld [tilespmem:$0xA20]  }
0x48: {  	v42 =	vld [tilespmem:$0x230]  }
0x49: {  	v43 =	vld [tilespmem:$0x270]  }
0x4a: {  	v44 =	vld [tilespmem:$0xA30]  }
0x4b: {  	v45 =	vld [tilespmem:$0x280]  }
0x4c: {  	v46 =	vld [tilespmem:$0x2C0]  }
0x4d: {  	v47 =	vld [tilespmem:$0xA80]  }
0x4e: {  	v48 =	vld [tilespmem:$0x290]  }
0x4f: {  	v49 =	vld [tilespmem:$0x2D0]  }
0x50: {  	v50 =	vld [tilespmem:$0xA90]  }
0x51: {  	v51 =	vld [tilespmem:$0x2A0]  }
0x52: {  	v8 =	vshrl.u32 v8, $0xB;
	v52 =	vld [tilespmem:$0x2E0]  }
0x53: {  	v8 =	vand.u32 $0x1, v8;
	v53 =	vld [tilespmem:$0xAA0]  }
0x54: {  	v54 =	vperm.xlane v8, v0;
	v55 =	vld [tilespmem:$0x2B0]  }
0x55: {  	v56 =	vld [tilespmem:$0x2F0]  }
0x56: {  	v54 =	vcvt.s32.f32 v54;
	v57 =	vld [tilespmem:$0xAB0];
	v10 =	vsub.f32 v62, v9  }
0x57: {  	v58 =	vld [tilespmem:$0x300];
	v13 =	vsub.f32 v13, v12  }
0x58: {  	v59 =	vld [tilespmem:$0x340];
	v10 =	vmul.f32 v54, v10  }
0x59: {  	v60 =	vld [tilespmem:$0xB00];
	v13 =	vmul.f32 v54, v13  }
0x5a: {  	v61 =	vld [tilespmem:$0xB10];
	v9 =	vadd.f32 v10, v9  }
0x5b: {  	v62 =	vld [tilespmem:$0x360];
	v12 =	vadd.f32 v13, v12;
	v13 =	vsub.f32 v16, v15  }
0x5c: {  	v63 =	vsub.f32 v28, v27;
	v28 =	vld [tilespmem:$0xB20];
	v9 =	vmul.f32 v9, v11;
	v11 =	vperm.xlane v8, v1  }
0x5d: {  	v10 =	vld [tilespmem:$0x310];
	v12 =	vmul.f32 v12, v14;
	v13 =	vmul.f32 v54, v13;
	v14 =	vsub.f32 v19, v18  }
0x5e: {  	v22 =	vsub.f32 v22, v21;
	v25 =	vsub.f32 v25, v24;
	v16 =	vld [tilespmem:$0x350];
	v11 =	vcvt.s32.f32 v11  }
0x5f: {  	v19 =	vld [tilespmem:$0x320];
	v13 =	vadd.f32 v13, v15;
	v14 =	vmul.f32 v54, v14  }
0x60: {  	v31 =	vsub.f32 v31, v30;
	v54 =	vld [tilespmem:$0x330];
	v22 =	vmul.f32 v11, v22;
	v25 =	vmul.f32 v11, v25  }
0x61: {  	v13 =	vmul.f32 v13, v17;
	v14 =	vadd.f32 v14, v18;
	v15 =	vmul.f32 v11, v63;
	v17 =	vld [tilespmem:$0x370]  }
0x62: {  	v11 =	vmul.f32 v11, v31;
	v31 =	vperm.xlane v8, v2;
	v18 =	vadd.f32 v22, v21;
	v22 =	vld [tilespmem:$0xB30]  }
0x63: {  	v63 =	vadd.f32 v25, v24;
	v14 =	vmul.f32 v14, v20;
	v24 =	vld [tilespmem:$0x380]  }
0x64: {  	v15 =	vadd.f32 v15, v27;
	v11 =	vadd.f32 v11, v30;
	v20 =	vcvt.s32.f32 v31;
	v30 =	vld [tilespmem:$0x390]  }
0x65: {  	v34 =	vsub.f32 v34, v33;
	v18 =	vmul.f32 v18, v23;
	v21 =	vmul.f32 v63, v26;
	v23 =	vld [tilespmem:$0x3C0]  }
0x66: {  	v15 =	vmul.f32 v15, v29;
	v26 =	vld [tilespmem:$0xB80];
	v63 =	vsub.f32 v37, v36;
	v37 =	vsub.f32 v40, v39  }
0x67: {  	v11 =	vmul.f32 v11, v32;
	v40 =	vperm.xlane v8, v3;
	v32 =	vld [tilespmem:$0x3D0]  }
0x68: {  	v25 =	vmul.f32 v20, v34;
	v34 =	vsub.f32 v43, v42;
	v29 =	vmul.f32 v20, v37;
	v37 =	vld [tilespmem:$0xB90]  }
0x69: {  	v16 =	vsub.f32 v16, v10;
	v43 =	vsub.f32 v49, v48;
	v31 =	vcvt.s32.f32 v40;
	v40 =	vld [tilespmem:$0x3A0]  }
0x6a: {  	v27 =	vmul.f32 v20, v63;
	v25 =	vadd.f32 v25, v33;
	v20 =	vmul.f32 v20, v34;
	v34 =	vld [tilespmem:$0x3E0]  }
0x6b: {  	v49 =	vperm.xlane v8, v4;
	v17 =	vsub.f32 v17, v54;
	v63 =	vsub.f32 v46, v45;
	[tilespmem:$0xD90] =	vst v21;
	v21 =	vld [tilespmem:$0x430]  }
0x6c: {  	v46 =	vsub.f32 v56, v55;
	v27 =	vadd.f32 v27, v36;
	v25 =	vmul.f32 v25, v35;
	v36 =	vld [tilespmem:$0xBA0]  }
0x6d: {  	v29 =	vadd.f32 v29, v39;
	v33 =	vmul.f32 v31, v63;
	v35 =	vmul.f32 v31, v43;
	v43 =	vld [tilespmem:$0xBB0]  }
0x6e: {  	v20 =	vadd.f32 v20, v42;
	v39 =	vld [tilespmem:$0x400];
	v63 =	vmul.f32 v31, v46;
	v23 =	vsub.f32 v23, v24  }
0x6f: {  	[tilespmem:$0xD00] =	vst v9;
	v42 =	vld [tilespmem:$0x440];
	v27 =	vmul.f32 v27, v38;
	v29 =	vmul.f32 v29, v41;
	v33 =	vadd.f32 v33, v45  }
0x70: {  	[tilespmem:$0xD10] =	vst v12;
	v38 =	vld [tilespmem:$0x3B0];
	v45 =	vsub.f32 v52, v51;
	v9 =	vmul.f32 v20, v44;
	v52 =	vadd.f32 v35, v48  }
0x71: {  	v41 =	vld [tilespmem:$0x3F0];
	v48 =	vcvt.s32.f32 v49;
	v49 =	vsub.f32 v59, v58;
	[tilespmem:$0xE00] =	vst v25;
	v25 =	vperm.xlane v8, v5  }
0x72: {  	[tilespmem:$0xD20] =	vst v13;
	v44 =	vld [tilespmem:$0xC00];
	v13 =	vadd.f32 v63, v55;
	v12 =	vmul.f32 v33, v47;
	v56 =	vmul.f32 v31, v45  }
0x73: {  	[tilespmem:$0xD30] =	vst v14;
	v35 =	vld [tilespmem:$0x410];
	v14 =	vmul.f32 v52, v50;
	v50 =	vsub.f32 v62, v19;
	v31 =	vmul.f32 v48, v49  }
0x74: {  	[tilespmem:$0xD80] =	vst v18;
	v32 =	vsub.f32 v32, v30;
	v20 =	vld [tilespmem:$0x460];
	v16 =	vmul.f32 v48, v16;
	v13 =	vmul.f32 v13, v57  }
0x75: {  	[tilespmem:$0xDA0] =	vst v15;
	v33 =	vld [tilespmem:$0x450];
	v63 =	vmul.f32 v48, v17;
	v52 =	vadd.f32 v56, v51;
	v55 =	vmul.f32 v48, v50  }
0x76: {  	[tilespmem:$0xDB0] =	vst v11;
	v17 =	vld [tilespmem:$0x420];
	v59 =	vadd.f32 v31, v58;
	v10 =	vadd.f32 v16, v10;
	v48 =	vperm.xlane v8, v6  }
0x77: {  	[tilespmem:$0xE10] =	vst v27;
	v45 =	vld [tilespmem:$0x470];
	v16 =	vadd.f32 v63, v54;
	v8 =	vperm.xlane v8, v7;
	v56 =	vmul.f32 v52, v53  }
0x78: {  	[tilespmem:$0xE20] =	vst v29;
	v57 =	vld [tilespmem:$0x4D0];
	v62 =	vadd.f32 v55, v19;
	v18 =	vmul.f32 v59, v60;
	v10 =	vmul.f32 v10, v61  }
0x79: {  	[tilespmem:$0xE30] =	vst v9;
	v47 =	vsub.f32 v34, v40;
	v31 =	vld [tilespmem:$0xC10];
	v19 =	vcvt.s32.f32 v25;
	v46 =	vmul.f32 v16, v22  }
0x7a: {  	[tilespmem:$0xE80] =	vst v12;
	v63 =	vld [tilespmem:$0x4E0];
	v51 =	vsub.f32 v41, v38;
	v54 =	vcvt.s32.f32 v48;
	v11 =	vmul.f32 v62, v28  }
0x7b: {  	[tilespmem:$0xE90] =	vst v14;
	v52 =	vld [tilespmem:$0x4C0];
	v55 =	vsub.f32 v42, v39;
	v49 =	vmul.f32 v19, v23;
	v50 =	vmul.f32 v19, v32  }
0x7c: {  	[tilespmem:$0xEB0] =	vst v13;
	v61 =	vld [tilespmem:$0x4A0];
	v60 =	vsub.f32 v33, v35;
	v53 =	vmul.f32 v19, v47;
	v19 =	vmul.f32 v19, v51  }
0x7d: {  	v28 =	vld [tilespmem:$0x480];
	[tilespmem:$0xEA0] =	vst v56;
	v59 =	vmul.f32 v54, v55;
	v12 =	vadd.f32 v49, v24;
	v56 =	vadd.f32 v50, v30  }
0x7e: {  	v32 =	vld [tilespmem:$0x490];
	[tilespmem:$0xF00] =	vst v18;
	v34 =	vmul.f32 v54, v60;
	v58 =	vadd.f32 v53, v40;
	v62 =	vadd.f32 v19, v38  }
0x7f: {  	v8 =	vcvt.s32.f32 v8;
	[tilespmem:$0xF10] =	vst v10;
	v33 =	vadd.f32 v59, v39;
	v38 =	vsub.f32 v20, v17;
	v39 =	vld [tilespmem:$0x4F0]  }
0x80: {  	[tilespmem:$0xF30] =	vst v46;
	v41 =	vadd.f32 v34, v35;
	v12 =	vmul.f32 v12, v26;
	v30 =	vmul.f32 v58, v36;
	v36 =	vld [tilespmem:$0x4B0]  }
0x81: {  	v42 =	vld [tilespmem:$0xC20];
	[tilespmem:$0xF20] =	vst v11;
	v15 =	vmul.f32 v56, v37;
	v37 =	vmul.f32 v62, v43;
	v43 =	vsub.f32 v45, v21  }
0x82: {  	v40 =	vmul.f32 v33, v44;
	v44 =	vmul.f32 v54, v38;
	v45 =	vld [tilespmem:$0xC30];
	v46 =	vsub.f32 v52, v28;
	[tilespmem:$0xF80] =	vst v12  }
0x83: {  	v48 =	vld [tilespmem:$0xC80];
	v19 =	vsub.f32 v63, v61;
	v23 =	vsub.f32 v57, v32;
	[tilespmem:$0xF90] =	vst v15;
	v47 =	vmul.f32 v54, v43  }
0x84: {  	v51 =	vld [tilespmem:$0xC90];
	v13 =	vmul.f32 v41, v31;
	[tilespmem:$0xFA0] =	vst v30;
	v49 =	vadd.f32 v44, v17;
	v50 =	vmul.f32 v8, v46  }
0x85: {  	[tilespmem:$0xFB0] =	vst v37;
	v54 =	vld [tilespmem:$0xCA0];
	v53 =	vmul.f32 v8, v23;
	v52 =	vadd.f32 v47, v21;
	v20 =	vsub.f32 v39, v36  }
0x86: {  	v58 =	vld [tilespmem:$0xCB0];
	v57 =	vmul.f32 v8, v19;
	[tilespmem:$0x1000] =	vst v40;
	v55 =	vmul.f32 v49, v42;
	v56 =	vadd.f32 v50, v28  }
0x87: {  	[tilespmem:$0x1010] =	vst v13;
	v59 =	vadd.f32 v53, v32;
	v11 =	vmul.f32 v52, v45;
	v8 =	vmul.f32 v8, v20  }
0x88: {  	v61 =	vadd.f32 v57, v61;
	[tilespmem:$0x1020] =	vst v55;
	v60 =	vmul.f32 v56, v48  }
0x89: {  	v62 =	vmul.f32 v59, v51;
	[tilespmem:$0x1030] =	vst v11;
	v8 =	vadd.f32 v8, v36  }
0x8a: {  	v63 =	vmul.f32 v61, v54;
	[tilespmem:$0x1080] =	vst v60  }
0x8b: {  	[tilespmem:$0x1090] =	vst v62;
	v8 =	vmul.f32 v8, v58  }
0x8c: {  	p0 =	sne.s32 s8, $0x1;
	[tilespmem:$0x10A0] =	vst v63  }
.Ltmp0:
0x8d: {  	[tilespmem:$0x10B0] =	vst v8;
	(pc) =	sbr.rel @p0 .LBB2_1-.Ltmp0, $4  }
0x8e: {  	[hbm4b:s7+s4] =	stream.linear.scatter [tilespmem:s15], [sflag:$0x2], $0x400, $0x38;
	[tilespmem:$0x1100] =	vst v63  }
0x8f: {  	_ =	swait.ge [sflag:s9], $0x400  }
0x90: {  	[sflag:s9] =	ssyncset.done $0x0  }
0x91: {  	s8 =	sadd.s32 $0xFFFFFFFF, s8;
	[sflag:s9] =	ssyncadd.s32 $0xFFFFFC00  }
0x92: {  	_ =	sfence.sel $0x180000  }
0x93: {  	[bflag:$0x0] =	sbarrier.arrive $0xFFFF  }
0x94: {  	p0 =	sne.s32 s1, $0x0;
	_ =	strace $0x90000047  }
0x95: {  	s0 =	sadd.s32 @!p0 $0x100000, s0;
	[bflag:$0x2] =	sbarrier.arrive $0xFFFF  }
0x96: {  	[sflag:s0] =	ssyncadd.tile.s32 @!p0 $0x1;
	_ =	shalt  }
.Lfunc_end2:
_tile_overlayer_lowered:
.L_overlay_start_2:
0x97: {  	(tag) =	ssettag $0x2  }
0x98: {  	s0 =	rddreg [dreg:$0x0];
	s2 =	stileid.u32  }
0x99: {  	s1 =	rddreg [dreg:$0x1];
	p0 =	sne.s32 s2, $0x0  }
0x9a: {  	s3 =	rddreg [dreg:$0x2];
	[bflag:$0x3] =	sbarrier.arrive $0xFFFF;
	s2 =	simm.s32 @!p0 $0x1C02  }
0x9b: {  	[timem:s3], [sflag:s2] =	dma.local @!p0 [hbm:s0], s1  }
0x9c: {  	s0 =	simm.s32 @!p0 $0x2  }
0x9d: {  	_ =	swait.ge @!p0 [sflag:s0], s1  }
0x9e: {  	s1 =	ssub.s32 @!p0 $0x0, s1;
	[sflag:s0] =	ssyncset.done @!p0 $0x0  }
0x9f: {  	[sflag:s0] =	ssyncadd.s32 @!p0 s1  }
0xa0: {  	[bflag:$0x3] =	sbarrier.arrive $0xFFFF  }
0xa1: {  	_ =	shalt  }

</sc_bundles>
